<compile_context>
chip_gen: v7x
topology: tpu7x:2x2x1
jax: 0.10.2.dev20260603
libtpu: 0.0.44.dev20260713+nightly
codegen_flags: <defaults>
</compile_context>

<pallas_src>
import functools

import jax
import jax.numpy as jnp
from jax import lax
from jax.experimental import pallas as pl
from jax.experimental.pallas import tpu as pltpu
from jax.experimental.pallas import tpu_sc as plsc

N = 10000
D = 256
DH = 128
NC = 2
NS = 16
B = 128
H = 10240
RPT = 632
RPT_LAST = N - (NS - 1) * RPT
ZPT = H // NS

@functools.cache
def _mesh():
    return plsc.VectorSubcoreMesh(core_axis_name="c", subcore_axis_name="s",
                                  num_cores=NC, num_subcores=NS)


def _deg_body(dst_t, zeros_h, ones_h, out, hist, dst_v, ones_v):
    c = lax.axis_index("c")
    s = lax.axis_index("s")
    nb = dst_t.shape[1]
    half = nb // 2
    pltpu.sync_copy(zeros_h.at[pl.ds(s * ZPT, ZPT)], hist.at[pl.ds(s * ZPT, ZPT)])
    pltpu.sync_copy(dst_t.at[s], dst_v)
    pltpu.sync_copy(ones_h, ones_v)
    plsc.subcore_barrier()
    lo = c * half
    hi = jnp.where(c == 0, half, nb)

    def body(j, carry):
        pltpu.sync_copy(ones_v, hist.at[dst_v.at[j]], add=True)
        return carry

    lax.fori_loop(lo, hi, body, 0)
    plsc.subcore_barrier()
    pltpu.sync_copy(hist.at[pl.ds(s * ZPT, ZPT)],
                    out.at[pl.ds(c * H + s * ZPT, ZPT)])


def _deg_call(dst_t, zeros_h, ones_h):
    nb = dst_t.shape[1]
    return pl.kernel(
        _deg_body,
        out_type=jax.ShapeDtypeStruct((NC * H,), jnp.float32),
        mesh=_mesh(),
        scratch_types=[
            pltpu.VMEM_SHARED((H,), jnp.float32),
            pltpu.VMEM((nb, B), jnp.int32),
            pltpu.VMEM((B,), jnp.float32),
        ],
    )(dst_t, zeros_h, ones_h)


def _agg_body(gstack, src_w, dst_t, out, agg, src_v, dst_v, rows_v, sem):
    c = lax.axis_index("c")
    s = lax.axis_index("s")
    w = c * NS + s
    nb = dst_t.shape[1]
    @pl.when(s < NS - 1)
    def _():
        pltpu.sync_copy(gstack.at[pl.ds(c * N + s * RPT, RPT)],
                        agg.at[pl.ds(s * RPT, RPT)])

    @pl.when(s == NS - 1)
    def _():
        pltpu.sync_copy(gstack.at[pl.ds(c * N + (NS - 1) * RPT, RPT_LAST)],
                        agg.at[pl.ds((NS - 1) * RPT, RPT_LAST)])
    pltpu.sync_copy(src_w.at[w], src_v)
    pltpu.sync_copy(dst_t.at[s], dst_v)
    plsc.subcore_barrier()

    def body(j, carry):
        pltpu.async_copy(gstack.at[src_v.at[j]], rows_v, sem).wait()
        pltpu.sync_copy(rows_v, agg.at[dst_v.at[j]], add=True)
        return carry

    lax.fori_loop(0, nb, body, 0)
    plsc.subcore_barrier()

    @pl.when(s < NS - 1)
    def _():
        pltpu.sync_copy(agg.at[pl.ds(s * RPT, RPT)],
                        out.at[pl.ds(c * N + s * RPT, RPT)])

    @pl.when(s == NS - 1)
    def _():
        pltpu.sync_copy(agg.at[pl.ds((NS - 1) * RPT, RPT_LAST)],
                        out.at[pl.ds(c * N + (NS - 1) * RPT, RPT_LAST)])


def _agg_call(gstack, src_w, dst_t):
    nb = dst_t.shape[1]
    return pl.kernel(
        _agg_body,
        out_type=jax.ShapeDtypeStruct((NC * N, DH), jnp.float32),
        mesh=_mesh(),
        scratch_types=[
            pltpu.VMEM_SHARED((H, DH), jnp.float32),
            pltpu.VMEM((nb, B), jnp.int32),
            pltpu.VMEM((nb, B), jnp.int32),
            pltpu.VMEM((B, DH), jnp.float32),
            pltpu.SemaphoreType.DMA,
        ],
    )(gstack, src_w, dst_t)


_PREC = lax.Precision.HIGHEST


def _tc1_body(x_b, w1, hist_b, g_out, dinv_out):
    deg = 1.0 + jnp.sum(hist_b[...], axis=1, keepdims=True)
    dinv = lax.rsqrt(deg)
    h = jnp.dot(x_b[...], w1[...], preferred_element_type=jnp.float32,
                precision=_PREC)
    g = h * dinv
    g_out[0, :, :] = g[:, :DH]
    g_out[1, :, :] = g[:, DH:]
    dinv_out[...] = dinv


def _tc1_call(x, w1, hist_t, bm=2000):
    grid = (N // bm,)
    return pl.pallas_call(
        _tc1_body,
        grid=grid,
        in_specs=[
            pl.BlockSpec((bm, D), lambda i: (i, 0)),
            pl.BlockSpec((D, D), lambda i: (0, 0)),
            pl.BlockSpec((bm, NC), lambda i: (i, 0)),
        ],
        out_specs=[
            pl.BlockSpec((NC, bm, DH), lambda i: (0, i, 0)),
            pl.BlockSpec((bm, 1), lambda i: (i, 0)),
        ],
        out_shape=[
            jax.ShapeDtypeStruct((NC, N, DH), jnp.float32),
            jax.ShapeDtypeStruct((N, 1), jnp.float32),
        ],
    )(x, w1, hist_t)


def _leaky(v):
    return jnp.where(v >= 0, v, 0.01 * v)


def _tc2_body(agg_b, dinv_b, b1, w2, g_out):
    a = jnp.concatenate([agg_b[0, :, :], agg_b[1, :, :]], axis=1)
    dinv = dinv_b[...]
    pre = a * dinv + b1[...]
    hact = _leaky(pre)
    h2 = jnp.dot(hact, w2[...], preferred_element_type=jnp.float32,
                 precision=_PREC)
    g = h2 * dinv
    g_out[0, :, :] = g[:, :DH]
    g_out[1, :, :] = g[:, DH:]


def _tc2_call(agg, dinv, b1, w2, bm=2000):
    grid = (N // bm,)
    return pl.pallas_call(
        _tc2_body,
        grid=grid,
        in_specs=[
            pl.BlockSpec((NC, bm, DH), lambda i: (0, i, 0)),
            pl.BlockSpec((bm, 1), lambda i: (i, 0)),
            pl.BlockSpec((1, D), lambda i: (0, 0)),
            pl.BlockSpec((D, D), lambda i: (0, 0)),
        ],
        out_specs=pl.BlockSpec((NC, bm, DH), lambda i: (0, i, 0)),
        out_shape=jax.ShapeDtypeStruct((NC, N, DH), jnp.float32),
    )(agg, dinv, b1, w2)


def _tc3_body(agg_b, dinv_b, b2, wr_row, br, y_out):
    a = jnp.concatenate([agg_b[0, :, :], agg_b[1, :, :]], axis=1)
    pre = a * dinv_b[...] + b2[...]
    hact = _leaky(pre)
    z = jnp.sum(hact * wr_row[...], axis=1, keepdims=True) + br[...]
    y_out[...] = 1.0 / (1.0 + jnp.exp(-z))


def _tc3_call(agg, dinv, b2, wr_row, br, bm=2000):
    grid = (N // bm,)
    return pl.pallas_call(
        _tc3_body,
        grid=grid,
        in_specs=[
            pl.BlockSpec((NC, bm, DH), lambda i: (0, i, 0)),
            pl.BlockSpec((bm, 1), lambda i: (i, 0)),
            pl.BlockSpec((1, D), lambda i: (0, 0)),
            pl.BlockSpec((1, D), lambda i: (0, 0)),
            pl.BlockSpec((1, 1), lambda i: (0, 0)),
        ],
        out_specs=pl.BlockSpec((bm, 1), lambda i: (i, 0)),
        out_shape=jax.ShapeDtypeStruct((N, 1), jnp.float32),
    )(agg, dinv, b2, wr_row, br)


def kernel(x, edge_index, W1, b1, W2, b2, Wr, br):
    ei = edge_index.astype(jnp.int32)
    src, dst = ei[0], ei[1]
    e = src.shape[0]
    nb = -(-e // (NS * B))
    e_pad = NS * B * nb
    pad = e_pad - e
    pidx = jnp.arange(pad, dtype=jnp.int32)
    src_p = jnp.concatenate([src, pidx % N])
    dst_p = jnp.concatenate([dst, N + pidx % (H - N)])
    src_w = jnp.stack([src_p, src_p + N]).reshape(NC * NS, nb, B)
    dst_t = dst_p.reshape(NS, nb, B)

    zeros_h = jnp.zeros((H,), jnp.float32)
    ones_h = jnp.ones((B,), jnp.float32)
    partials = _deg_call(dst_t, zeros_h, ones_h)
    hist_t = partials.reshape(NC, H)[:, :N].T

    g1, dinv = _tc1_call(x, W1, hist_t)
    agg1 = _agg_call(g1.reshape(NC * N, DH), src_w, dst_t)
    g2 = _tc2_call(agg1.reshape(NC, N, DH), dinv, b1.reshape(1, D), W2)
    agg2 = _agg_call(g2.reshape(NC * N, DH), src_w, dst_t)
    y = _tc3_call(agg2.reshape(NC, N, DH), dinv, b2.reshape(1, D),
                  Wr.reshape(1, D), br.reshape(1, 1))
    return y

# --- scband reference (transcript-rebuilt; emitter-appended) ---
"""Pipeline reference for scband-simple-gcn-15951508537576 (READ-ONLY COPY).

The authoritative reference and input builder live on the scoring server;
editing this copy changes nothing except your own understanding.
"""

import jax, jax.numpy as jnp
import numpy as np

N_NODES = 10000
N_EDGES = 160000
D_IN = 256
D_H = 256


def setup_inputs(seed: int = 0) -> dict:
    key = jax.random.key(seed)
    ks = jax.random.split(key, 8)
    x = jax.random.normal(ks[0], (N_NODES, D_IN), dtype=jnp.float32)
    edge_index = jax.random.randint(ks[1], (2, N_EDGES), 0, N_NODES, dtype=jnp.int64)
    W1 = jax.random.normal(ks[2], (D_IN, D_H), dtype=jnp.float32) * (1.0 / np.sqrt(D_IN))
    b1 = jnp.zeros((D_H,), dtype=jnp.float32)
    W2 = jax.random.normal(ks[3], (D_H, D_H), dtype=jnp.float32) * (1.0 / np.sqrt(D_H))
    b2 = jnp.zeros((D_H,), dtype=jnp.float32)
    Wr = jax.random.normal(ks[4], (D_H, 1), dtype=jnp.float32) * (1.0 / np.sqrt(D_H))
    br = jnp.zeros((1,), dtype=jnp.float32)
    return {"x": x, "edge_index": edge_index, "W1": W1, "b1": b1, "W2": W2, "b2": b2, "Wr": Wr, "br": br}


def _gcn_conv(x, src, dst, W, b):
    # Standard GCN conv: h = D^{-1/2} (A + I) D^{-1/2} (x W) + b
    n = x.shape[0]
    h = x @ W
    deg = jnp.zeros((n,), dtype=jnp.float32).at[dst].add(1.0)
    dinv = jnp.where(deg > 0, jax.lax.rsqrt(jnp.maximum(deg, 1.0)), 0.0)
    norm = dinv[src] * dinv[dst]
    msg = h[src] * norm[:, None]
    out = jnp.zeros((n, h.shape[1]), dtype=jnp.float32).at[dst].add(msg)
    return out + b


def reference(x, edge_index, W1, b1, W2, b2, Wr, br):
    n = x.shape[0]
    loops = jnp.arange(n, dtype=edge_index.dtype)
    src = jnp.concatenate([edge_index[0], loops])
    dst = jnp.concatenate([edge_index[1], loops])
    h = _gcn_conv(x, src, dst, W1, b1)
    h = jax.nn.leaky_relu(h, negative_slope=0.01)
    h = _gcn_conv(h, src, dst, W2, b2)
    h = jax.nn.leaky_relu(h, negative_slope=0.01)
    out = jax.nn.sigmoid(h @ Wr + br)
    return out

if __name__ == "__main__":
    import jax
    _d = setup_inputs()
    print(jax.jit(kernel)(*tuple(_d.values())))

</pallas_src>

<mosaic_0001>
#map = affine_map<(d0, d1) -> (0, 0, 0)>
#map1 = affine_map<(d0, d1) -> (0)>
module attributes {stable_mosaic.version = 14 : i64} {
  func.func @_deg_body(%arg0: i32, %arg1: i32, %arg2: memref<16x79x128xi32, #tpu.memory_space<hbm>>, %arg3: memref<10240xf32, #tpu.memory_space<hbm>>, %arg4: memref<128xf32, #tpu.memory_space<hbm>>, %arg5: memref<20480xf32, #tpu.memory_space<hbm>>, %arg6: memref<10240xf32, #tpu.memory_space<vmem_shared>>, %arg7: memref<79x128xi32, #tpu.memory_space<vmem>>, %arg8: memref<128xf32, #tpu.memory_space<vmem>>) attributes {dimension_semantics = [#tpu.dimension_semantics<core_parallel>, #tpu.dimension_semantics<subcore_parallel>], iteration_bounds = array<i64: 2, 16>, scalar_prefetch = 0 : i64, scratch_operands = 3 : i64, tpu.core_type = #tpu.core_type<sc_vector_subcore>, window_params = [{transform_indices = #map}, {transform_indices = #map1}, {transform_indices = #map1}, {transform_indices = #map1}]} {
    %mul3A = arith.constant 640 : i32
    %mul3A_0 = arith.muli %arg1, %mul3A : i32
    %mul3A_1 = arith.constant 640 : i32
    %mul3A_2 = arith.muli %arg1, %mul3A_1 : i32
    "tpu.region"() ({
      %run_scoped3A = tpu.sem_alloc : memref<!tpu.dma_semaphore, #tpu.memory_space<semaphore_mem>>
      %dma_start3A = tpu.memref_slice %arg6[%mul3A_2] : memref<10240xf32, #tpu.memory_space<vmem_shared>> -> memref<640xf32, #tpu.memory_space<vmem_shared>>
      %dma_start3A_22 = tpu.memref_slice %arg3[%mul3A_0] : memref<10240xf32, #tpu.memory_space<hbm>> -> memref<640xf32, #tpu.memory_space<hbm>>
      tpu.enqueue_dma source(%dma_start3A_22 : memref<640xf32, #tpu.memory_space<hbm>>) target(%dma_start3A : memref<640xf32, #tpu.memory_space<vmem_shared>>) target_semaphore(%run_scoped3A : memref<!tpu.dma_semaphore, #tpu.memory_space<semaphore_mem>>)
      %dma_wait3A = tpu.memref_slice %arg6[%mul3A_2] : memref<10240xf32, #tpu.memory_space<vmem_shared>> -> memref<640xf32, #tpu.memory_space<vmem_shared>>
      %dma_wait3A_23 = tpu.memref_slice %arg3[%mul3A_0] : memref<10240xf32, #tpu.memory_space<hbm>> -> memref<640xf32, #tpu.memory_space<hbm>>
      tpu.wait_dma2 semaphore(%run_scoped3A : memref<!tpu.dma_semaphore, #tpu.memory_space<semaphore_mem>>) src(%dma_wait3A_23 : memref<640xf32, #tpu.memory_space<hbm>>) dst(%dma_wait3A : memref<640xf32, #tpu.memory_space<vmem_shared>>)
      tpu.yield
    }) : () -> ()
    "tpu.region"() ({
      %run_scoped3A = tpu.sem_alloc : memref<!tpu.dma_semaphore, #tpu.memory_space<semaphore_mem>>
      %dma_start3A = arith.constant 0 : i32
      %dma_start3A_22 = arith.constant 0 : i32
      %dma_start3A_23 = tpu.memref_slice %arg2[%arg1, %dma_start3A, %dma_start3A_22] : memref<16x79x128xi32, #tpu.memory_space<hbm>> -> memref<1x79x128xi32, #tpu.memory_space<hbm>>
      %dma_start3A_24 = tpu.memref_squeeze %dma_start3A_23 : memref<1x79x128xi32, #tpu.memory_space<hbm>> -> memref<79x128xi32, #tpu.memory_space<hbm>>
      %dma_start3A_25 = arith.constant 0 : i32
      %dma_start3A_26 = arith.constant 0 : i32
      %dma_start3A_27 = tpu.memref_slice %arg2[%arg1, %dma_start3A_25, %dma_start3A_26] : memref<16x79x128xi32, #tpu.memory_space<hbm>> -> memref<1x79x128xi32, #tpu.memory_space<hbm>>
      %dma_start3A_28 = tpu.memref_squeeze %dma_start3A_27 : memref<1x79x128xi32, #tpu.memory_space<hbm>> -> memref<79x128xi32, #tpu.memory_space<hbm>>
      tpu.enqueue_dma source(%dma_start3A_28 : memref<79x128xi32, #tpu.memory_space<hbm>>) target(%arg7 : memref<79x128xi32, #tpu.memory_space<vmem>>) target_semaphore(%run_scoped3A : memref<!tpu.dma_semaphore, #tpu.memory_space<semaphore_mem>>)
      %dma_wait3A = arith.constant 0 : i32
      %dma_wait3A_29 = arith.constant 0 : i32
      %dma_wait3A_30 = tpu.memref_slice %arg2[%arg1, %dma_wait3A, %dma_wait3A_29] : memref<16x79x128xi32, #tpu.memory_space<hbm>> -> memref<1x79x128xi32, #tpu.memory_space<hbm>>
      %dma_wait3A_31 = tpu.memref_squeeze %dma_wait3A_30 : memref<1x79x128xi32, #tpu.memory_space<hbm>> -> memref<79x128xi32, #tpu.memory_space<hbm>>
      %dma_wait3A_32 = arith.constant 0 : i32
      %dma_wait3A_33 = arith.constant 0 : i32
      %dma_wait3A_34 = tpu.memref_slice %arg2[%arg1, %dma_wait3A_32, %dma_wait3A_33] : memref<16x79x128xi32, #tpu.memory_space<hbm>> -> memref<1x79x128xi32, #tpu.memory_space<hbm>>
      %dma_wait3A_35 = tpu.memref_squeeze %dma_wait3A_34 : memref<1x79x128xi32, #tpu.memory_space<hbm>> -> memref<79x128xi32, #tpu.memory_space<hbm>>
      tpu.wait_dma2 semaphore(%run_scoped3A : memref<!tpu.dma_semaphore, #tpu.memory_space<semaphore_mem>>) src(%dma_wait3A_35 : memref<79x128xi32, #tpu.memory_space<hbm>>) dst(%arg7 : memref<79x128xi32, #tpu.memory_space<vmem>>)
      tpu.yield
    }) : () -> ()
    "tpu.region"() ({
      %run_scoped3A = tpu.sem_alloc : memref<!tpu.dma_semaphore, #tpu.memory_space<semaphore_mem>>
      tpu.enqueue_dma source(%arg4 : memref<128xf32, #tpu.memory_space<hbm>>) target(%arg8 : memref<128xf32, #tpu.memory_space<vmem>>) target_semaphore(%run_scoped3A : memref<!tpu.dma_semaphore, #tpu.memory_space<semaphore_mem>>)
      tpu.wait_dma2 semaphore(%run_scoped3A : memref<!tpu.dma_semaphore, #tpu.memory_space<semaphore_mem>>) src(%arg4 : memref<128xf32, #tpu.memory_space<hbm>>) dst(%arg8 : memref<128xf32, #tpu.memory_space<vmem>>)
      tpu.yield
    }) : () -> ()
    %barrier3A = arith.constant 0 : index
    tpu.barrier barrier_id(%barrier3A)
    %mul3A_3 = arith.constant 39 : i32
    %mul3A_4 = arith.muli %arg0, %mul3A_3 : i32
    %eq3A = arith.constant 0 : i32
    %eq3A_5 = arith.cmpi eq, %arg0, %eq3A : i32
    %jit3A = arith.constant 39 : i32
    %jit3A_6 = arith.constant 79 : i32
    %select_n3A = arith.select %eq3A_5, %jit3A, %jit3A_6 : i32
    %while3A = arith.constant 0 : i32
    %while3A_7 = arith.subi %select_n3A, %mul3A_4 : i32
    %while3A_8 = arith.addi %mul3A_4, %while3A_7 : i32
    %while3A_9 = arith.constant 1 : i32
    %while3A_10 = arith.divsi %while3A_7, %while3A_9 : i32
    %while3A_11 = arith.muli %while3A_10, %while3A_9 : i32
    %while3A_12 = arith.addi %mul3A_4, %while3A_11 : i32
    %while3A_13 = arith.constant 1 : i32
    scf.for %while3A_22 = %mul3A_4 to %while3A_12 step %while3A_13  : i32 {
      "tpu.region"() ({
        %run_scoped3A = tpu.sem_alloc : memref<!tpu.dma_semaphore, #tpu.memory_space<semaphore_mem>>
        %dma_start3A = arith.constant 0 : i32
        %dma_start3A_23 = tpu.memref_slice %arg7[%while3A_22, %dma_start3A] : memref<79x128xi32, #tpu.memory_space<vmem>> -> memref<1x128xi32, #tpu.memory_space<vmem>>
        %dma_start3A_24 = tpu.memref_squeeze %dma_start3A_23 : memref<1x128xi32, #tpu.memory_space<vmem>> -> memref<128xi32, #tpu.memory_space<vmem>>
        %dma_start3A_25 = arith.constant 0 : i32
        %dma_start3A_26 = tpu.memref_slice %arg6[%dma_start3A_25] : memref<10240xf32, #tpu.memory_space<vmem_shared>> -> memref<10240xf32, #tpu.memory_space<vmem_shared>>
        tpu.enqueue_indirect_dma source(%arg8 : memref<128xf32, #tpu.memory_space<vmem>>) target(%dma_start3A_26 : memref<10240xf32, #tpu.memory_space<vmem_shared>>) offsets(%dma_start3A_24 : memref<128xi32, #tpu.memory_space<vmem>>) semaphore(%run_scoped3A : memref<!tpu.dma_semaphore, #tpu.memory_space<semaphore_mem>>) {add = true}
        %dma_wait3A = arith.constant 0 : i32
        %dma_wait3A_27 = tpu.memref_slice %arg7[%while3A_22, %dma_wait3A] : memref<79x128xi32, #tpu.memory_space<vmem>> -> memref<1x128xi32, #tpu.memory_space<vmem>>
        %dma_wait3A_28 = tpu.memref_squeeze %dma_wait3A_27 : memref<1x128xi32, #tpu.memory_space<vmem>> -> memref<128xi32, #tpu.memory_space<vmem>>
        %dma_wait3A_29 = arith.constant 0 : i32
        %dma_wait3A_30 = tpu.memref_slice %arg6[%dma_wait3A_29] : memref<10240xf32, #tpu.memory_space<vmem_shared>> -> memref<10240xf32, #tpu.memory_space<vmem_shared>>
        tpu.wait_indirect_dma semaphore(%run_scoped3A : memref<!tpu.dma_semaphore, #tpu.memory_space<semaphore_mem>>) src(%arg8 : memref<128xf32, #tpu.memory_space<vmem>>) dst(%dma_wait3A_30 : memref<10240xf32, #tpu.memory_space<vmem_shared>>)
        tpu.yield
      }) : () -> ()
    }
    %while3A_14 = arith.constant 1 : i32
    scf.for %while3A_22 = %while3A_12 to %while3A_8 step %while3A_14  : i32 {
      "tpu.region"() ({
        %run_scoped3A = tpu.sem_alloc : memref<!tpu.dma_semaphore, #tpu.memory_space<semaphore_mem>>
        %dma_start3A = arith.constant 0 : i32
        %dma_start3A_23 = tpu.memref_slice %arg7[%while3A_22, %dma_start3A] : memref<79x128xi32, #tpu.memory_space<vmem>> -> memref<1x128xi32, #tpu.memory_space<vmem>>
        %dma_start3A_24 = tpu.memref_squeeze %dma_start3A_23 : memref<1x128xi32, #tpu.memory_space<vmem>> -> memref<128xi32, #tpu.memory_space<vmem>>
        %dma_start3A_25 = arith.constant 0 : i32
        %dma_start3A_26 = tpu.memref_slice %arg6[%dma_start3A_25] : memref<10240xf32, #tpu.memory_space<vmem_shared>> -> memref<10240xf32, #tpu.memory_space<vmem_shared>>
        tpu.enqueue_indirect_dma source(%arg8 : memref<128xf32, #tpu.memory_space<vmem>>) target(%dma_start3A_26 : memref<10240xf32, #tpu.memory_space<vmem_shared>>) offsets(%dma_start3A_24 : memref<128xi32, #tpu.memory_space<vmem>>) semaphore(%run_scoped3A : memref<!tpu.dma_semaphore, #tpu.memory_space<semaphore_mem>>) {add = true}
        %dma_wait3A = arith.constant 0 : i32
        %dma_wait3A_27 = tpu.memref_slice %arg7[%while3A_22, %dma_wait3A] : memref<79x128xi32, #tpu.memory_space<vmem>> -> memref<1x128xi32, #tpu.memory_space<vmem>>
        %dma_wait3A_28 = tpu.memref_squeeze %dma_wait3A_27 : memref<1x128xi32, #tpu.memory_space<vmem>> -> memref<128xi32, #tpu.memory_space<vmem>>
        %dma_wait3A_29 = arith.constant 0 : i32
        %dma_wait3A_30 = tpu.memref_slice %arg6[%dma_wait3A_29] : memref<10240xf32, #tpu.memory_space<vmem_shared>> -> memref<10240xf32, #tpu.memory_space<vmem_shared>>
        tpu.wait_indirect_dma semaphore(%run_scoped3A : memref<!tpu.dma_semaphore, #tpu.memory_space<semaphore_mem>>) src(%arg8 : memref<128xf32, #tpu.memory_space<vmem>>) dst(%dma_wait3A_30 : memref<10240xf32, #tpu.memory_space<vmem_shared>>)
        tpu.yield
      }) : () -> ()
    }
    %barrier3A_15 = arith.constant 0 : index
    tpu.barrier barrier_id(%barrier3A_15)
    %mul3A_16 = arith.constant 640 : i32
    %mul3A_17 = arith.muli %arg1, %mul3A_16 : i32
    %mul3A_18 = arith.constant 10240 : i32
    %mul3A_19 = arith.muli %arg0, %mul3A_18 : i32
    %mul3A_20 = arith.constant 640 : i32
    %mul3A_21 = arith.muli %arg1, %mul3A_20 : i32
    %add3A = arith.addi %mul3A_19, %mul3A_21 : i32
    "tpu.region"() ({
      %run_scoped3A = tpu.sem_alloc : memref<!tpu.dma_semaphore, #tpu.memory_space<semaphore_mem>>
      %dma_start3A = tpu.memref_slice %arg5[%add3A] : memref<20480xf32, #tpu.memory_space<hbm>> -> memref<640xf32, #tpu.memory_space<hbm>>
      %dma_start3A_22 = tpu.memref_slice %arg6[%mul3A_17] : memref<10240xf32, #tpu.memory_space<vmem_shared>> -> memref<640xf32, #tpu.memory_space<vmem_shared>>
      tpu.enqueue_dma source(%dma_start3A_22 : memref<640xf32, #tpu.memory_space<vmem_shared>>) target(%dma_start3A : memref<640xf32, #tpu.memory_space<hbm>>) target_semaphore(%run_scoped3A : memref<!tpu.dma_semaphore, #tpu.memory_space<semaphore_mem>>)
      %dma_wait3A = tpu.memref_slice %arg5[%add3A] : memref<20480xf32, #tpu.memory_space<hbm>> -> memref<640xf32, #tpu.memory_space<hbm>>
      %dma_wait3A_23 = tpu.memref_slice %arg6[%mul3A_17] : memref<10240xf32, #tpu.memory_space<vmem_shared>> -> memref<640xf32, #tpu.memory_space<vmem_shared>>
      tpu.wait_dma2 semaphore(%run_scoped3A : memref<!tpu.dma_semaphore, #tpu.memory_space<semaphore_mem>>) src(%dma_wait3A_23 : memref<640xf32, #tpu.memory_space<vmem_shared>>) dst(%dma_wait3A : memref<640xf32, #tpu.memory_space<hbm>>)
      tpu.yield
    }) : () -> ()
    return
  }
}

#map = affine_map<(d0, d1) -> (0, 0)>
#map1 = affine_map<(d0, d1) -> (0, 0, 0)>
module attributes {stable_mosaic.version = 14 : i64} {
  func.func @_agg_body(%arg0: i32, %arg1: i32, %arg2: memref<20000x128xf32, #tpu.memory_space<hbm>>, %arg3: memref<32x79x128xi32, #tpu.memory_space<hbm>>, %arg4: memref<16x79x128xi32, #tpu.memory_space<hbm>>, %arg5: memref<20000x128xf32, #tpu.memory_space<hbm>>, %arg6: memref<10240x128xf32, #tpu.memory_space<vmem_shared>>, %arg7: memref<79x128xi32, #tpu.memory_space<vmem>>, %arg8: memref<79x128xi32, #tpu.memory_space<vmem>>, %arg9: memref<128x128xf32, #tpu.memory_space<vmem>>, %arg10: memref<!tpu.dma_semaphore, #tpu.memory_space<semaphore_mem>>) attributes {dimension_semantics = [#tpu.dimension_semantics<core_parallel>, #tpu.dimension_semantics<subcore_parallel>], iteration_bounds = array<i64: 2, 16>, scalar_prefetch = 0 : i64, scratch_operands = 5 : i64, tpu.core_type = #tpu.core_type<sc_vector_subcore>, window_params = [{transform_indices = #map}, {transform_indices = #map1}, {transform_indices = #map1}, {transform_indices = #map}]} {
    %mul3A = arith.constant 16 : i32
    %mul3A_0 = arith.muli %arg0, %mul3A : i32
    %add3A = arith.addi %mul3A_0, %arg1 : i32
    %lt3A = arith.constant 15 : i32
    %lt3A_1 = arith.cmpi slt, %arg1, %lt3A : i32
    %convert_element_type3A = arith.extui %lt3A_1 : i1 to i32
    %cond3A = arith.constant 0 : i32
    %cond3A_2 = arith.cmpi ne, %convert_element_type3A, %cond3A : i32
    scf.if %cond3A_2 {
      %mul3A_23 = arith.constant 10000 : i32
      %mul3A_24 = arith.muli %arg0, %mul3A_23 : i32
      %mul3A_25 = arith.constant 632 : i32
      %mul3A_26 = arith.muli %arg1, %mul3A_25 : i32
      %add3A_27 = arith.addi %mul3A_24, %mul3A_26 : i32
      %mul3A_28 = arith.constant 632 : i32
      %mul3A_29 = arith.muli %arg1, %mul3A_28 : i32
      "tpu.region"() ({
        %run_scoped3A = tpu.sem_alloc : memref<!tpu.dma_semaphore, #tpu.memory_space<semaphore_mem>>
        %dma_start3A = arith.constant 0 : i32
        %dma_start3A_30 = tpu.memref_slice %arg6[%mul3A_29, %dma_start3A] : memref<10240x128xf32, #tpu.memory_space<vmem_shared>> -> memref<632x128xf32, #tpu.memory_space<vmem_shared>>
        %dma_start3A_31 = arith.constant 0 : i32
        %dma_start3A_32 = tpu.memref_slice %arg2[%add3A_27, %dma_start3A_31] : memref<20000x128xf32, #tpu.memory_space<hbm>> -> memref<632x128xf32, #tpu.memory_space<hbm>>
        tpu.enqueue_dma source(%dma_start3A_32 : memref<632x128xf32, #tpu.memory_space<hbm>>) target(%dma_start3A_30 : memref<632x128xf32, #tpu.memory_space<vmem_shared>>) target_semaphore(%run_scoped3A : memref<!tpu.dma_semaphore, #tpu.memory_space<semaphore_mem>>)
        %dma_wait3A = arith.constant 0 : i32
        %dma_wait3A_33 = tpu.memref_slice %arg6[%mul3A_29, %dma_wait3A] : memref<10240x128xf32, #tpu.memory_space<vmem_shared>> -> memref<632x128xf32, #tpu.memory_space<vmem_shared>>
        %dma_wait3A_34 = arith.constant 0 : i32
        %dma_wait3A_35 = tpu.memref_slice %arg2[%add3A_27, %dma_wait3A_34] : memref<20000x128xf32, #tpu.memory_space<hbm>> -> memref<632x128xf32, #tpu.memory_space<hbm>>
        tpu.wait_dma2 semaphore(%run_scoped3A : memref<!tpu.dma_semaphore, #tpu.memory_space<semaphore_mem>>) src(%dma_wait3A_35 : memref<632x128xf32, #tpu.memory_space<hbm>>) dst(%dma_wait3A_33 : memref<632x128xf32, #tpu.memory_space<vmem_shared>>)
        tpu.yield
      }) : () -> ()
    } else {
    }
    %eq3A = arith.constant 15 : i32
    %eq3A_3 = arith.cmpi eq, %arg1, %eq3A : i32
    %convert_element_type3A_4 = arith.extui %eq3A_3 : i1 to i32
    %cond3A_5 = arith.constant 0 : i32
    %cond3A_6 = arith.cmpi ne, %convert_element_type3A_4, %cond3A_5 : i32
    scf.if %cond3A_6 {
      %mul3A_23 = arith.constant 10000 : i32
      %mul3A_24 = arith.muli %arg0, %mul3A_23 : i32
      %add3A_25 = arith.constant 9480 : i32
      %add3A_26 = arith.addi %mul3A_24, %add3A_25 : i32
      "tpu.region"() ({
        %run_scoped3A = tpu.sem_alloc : memref<!tpu.dma_semaphore, #tpu.memory_space<semaphore_mem>>
        %dma_start3A = arith.constant 9480 : i32
        %dma_start3A_27 = arith.constant 0 : i32
        %dma_start3A_28 = tpu.memref_slice %arg6[%dma_start3A, %dma_start3A_27] : memref<10240x128xf32, #tpu.memory_space<vmem_shared>> -> memref<520x128xf32, #tpu.memory_space<vmem_shared>>
        %dma_start3A_29 = arith.constant 0 : i32
        %dma_start3A_30 = tpu.memref_slice %arg2[%add3A_26, %dma_start3A_29] : memref<20000x128xf32, #tpu.memory_space<hbm>> -> memref<520x128xf32, #tpu.memory_space<hbm>>
        tpu.enqueue_dma source(%dma_start3A_30 : memref<520x128xf32, #tpu.memory_space<hbm>>) target(%dma_start3A_28 : memref<520x128xf32, #tpu.memory_space<vmem_shared>>) target_semaphore(%run_scoped3A : memref<!tpu.dma_semaphore, #tpu.memory_space<semaphore_mem>>)
        %dma_wait3A = arith.constant 9480 : i32
        %dma_wait3A_31 = arith.constant 0 : i32
        %dma_wait3A_32 = tpu.memref_slice %arg6[%dma_wait3A, %dma_wait3A_31] : memref<10240x128xf32, #tpu.memory_space<vmem_shared>> -> memref<520x128xf32, #tpu.memory_space<vmem_shared>>
        %dma_wait3A_33 = arith.constant 0 : i32
        %dma_wait3A_34 = tpu.memref_slice %arg2[%add3A_26, %dma_wait3A_33] : memref<20000x128xf32, #tpu.memory_space<hbm>> -> memref<520x128xf32, #tpu.memory_space<hbm>>
        tpu.wait_dma2 semaphore(%run_scoped3A : memref<!tpu.dma_semaphore, #tpu.memory_space<semaphore_mem>>) src(%dma_wait3A_34 : memref<520x128xf32, #tpu.memory_space<hbm>>) dst(%dma_wait3A_32 : memref<520x128xf32, #tpu.memory_space<vmem_shared>>)
        tpu.yield
      }) : () -> ()
    } else {
    }
    "tpu.region"() ({
      %run_scoped3A = tpu.sem_alloc : memref<!tpu.dma_semaphore, #tpu.memory_space<semaphore_mem>>
      %dma_start3A = arith.constant 0 : i32
      %dma_start3A_23 = arith.constant 0 : i32
      %dma_start3A_24 = tpu.memref_slice %arg3[%add3A, %dma_start3A, %dma_start3A_23] : memref<32x79x128xi32, #tpu.memory_space<hbm>> -> memref<1x79x128xi32, #tpu.memory_space<hbm>>
      %dma_start3A_25 = tpu.memref_squeeze %dma_start3A_24 : memref<1x79x128xi32, #tpu.memory_space<hbm>> -> memref<79x128xi32, #tpu.memory_space<hbm>>
      %dma_start3A_26 = arith.constant 0 : i32
      %dma_start3A_27 = arith.constant 0 : i32
      %dma_start3A_28 = tpu.memref_slice %arg3[%add3A, %dma_start3A_26, %dma_start3A_27] : memref<32x79x128xi32, #tpu.memory_space<hbm>> -> memref<1x79x128xi32, #tpu.memory_space<hbm>>
      %dma_start3A_29 = tpu.memref_squeeze %dma_start3A_28 : memref<1x79x128xi32, #tpu.memory_space<hbm>> -> memref<79x128xi32, #tpu.memory_space<hbm>>
      tpu.enqueue_dma source(%dma_start3A_29 : memref<79x128xi32, #tpu.memory_space<hbm>>) target(%arg7 : memref<79x128xi32, #tpu.memory_space<vmem>>) target_semaphore(%run_scoped3A : memref<!tpu.dma_semaphore, #tpu.memory_space<semaphore_mem>>)
      %dma_wait3A = arith.constant 0 : i32
      %dma_wait3A_30 = arith.constant 0 : i32
      %dma_wait3A_31 = tpu.memref_slice %arg3[%add3A, %dma_wait3A, %dma_wait3A_30] : memref<32x79x128xi32, #tpu.memory_space<hbm>> -> memref<1x79x128xi32, #tpu.memory_space<hbm>>
      %dma_wait3A_32 = tpu.memref_squeeze %dma_wait3A_31 : memref<1x79x128xi32, #tpu.memory_space<hbm>> -> memref<79x128xi32, #tpu.memory_space<hbm>>
      %dma_wait3A_33 = arith.constant 0 : i32
      %dma_wait3A_34 = arith.constant 0 : i32
      %dma_wait3A_35 = tpu.memref_slice %arg3[%add3A, %dma_wait3A_33, %dma_wait3A_34] : memref<32x79x128xi32, #tpu.memory_space<hbm>> -> memref<1x79x128xi32, #tpu.memory_space<hbm>>
      %dma_wait3A_36 = tpu.memref_squeeze %dma_wait3A_35 : memref<1x79x128xi32, #tpu.memory_space<hbm>> -> memref<79x128xi32, #tpu.memory_space<hbm>>
      tpu.wait_dma2 semaphore(%run_scoped3A : memref<!tpu.dma_semaphore, #tpu.memory_space<semaphore_mem>>) src(%dma_wait3A_36 : memref<79x128xi32, #tpu.memory_space<hbm>>) dst(%arg7 : memref<79x128xi32, #tpu.memory_space<vmem>>)
      tpu.yield
    }) : () -> ()
    "tpu.region"() ({
      %run_scoped3A = tpu.sem_alloc : memref<!tpu.dma_semaphore, #tpu.memory_space<semaphore_mem>>
      %dma_start3A = arith.constant 0 : i32
      %dma_start3A_23 = arith.constant 0 : i32
      %dma_start3A_24 = tpu.memref_slice %arg4[%arg1, %dma_start3A, %dma_start3A_23] : memref<16x79x128xi32, #tpu.memory_space<hbm>> -> memref<1x79x128xi32, #tpu.memory_space<hbm>>
      %dma_start3A_25 = tpu.memref_squeeze %dma_start3A_24 : memref<1x79x128xi32, #tpu.memory_space<hbm>> -> memref<79x128xi32, #tpu.memory_space<hbm>>
      %dma_start3A_26 = arith.constant 0 : i32
      %dma_start3A_27 = arith.constant 0 : i32
      %dma_start3A_28 = tpu.memref_slice %arg4[%arg1, %dma_start3A_26, %dma_start3A_27] : memref<16x79x128xi32, #tpu.memory_space<hbm>> -> memref<1x79x128xi32, #tpu.memory_space<hbm>>
      %dma_start3A_29 = tpu.memref_squeeze %dma_start3A_28 : memref<1x79x128xi32, #tpu.memory_space<hbm>> -> memref<79x128xi32, #tpu.memory_space<hbm>>
      tpu.enqueue_dma source(%dma_start3A_29 : memref<79x128xi32, #tpu.memory_space<hbm>>) target(%arg8 : memref<79x128xi32, #tpu.memory_space<vmem>>) target_semaphore(%run_scoped3A : memref<!tpu.dma_semaphore, #tpu.memory_space<semaphore_mem>>)
      %dma_wait3A = arith.constant 0 : i32
      %dma_wait3A_30 = arith.constant 0 : i32
      %dma_wait3A_31 = tpu.memref_slice %arg4[%arg1, %dma_wait3A, %dma_wait3A_30] : memref<16x79x128xi32, #tpu.memory_space<hbm>> -> memref<1x79x128xi32, #tpu.memory_space<hbm>>
      %dma_wait3A_32 = tpu.memref_squeeze %dma_wait3A_31 : memref<1x79x128xi32, #tpu.memory_space<hbm>> -> memref<79x128xi32, #tpu.memory_space<hbm>>
      %dma_wait3A_33 = arith.constant 0 : i32
      %dma_wait3A_34 = arith.constant 0 : i32
      %dma_wait3A_35 = tpu.memref_slice %arg4[%arg1, %dma_wait3A_33, %dma_wait3A_34] : memref<16x79x128xi32, #tpu.memory_space<hbm>> -> memref<1x79x128xi32, #tpu.memory_space<hbm>>
      %dma_wait3A_36 = tpu.memref_squeeze %dma_wait3A_35 : memref<1x79x128xi32, #tpu.memory_space<hbm>> -> memref<79x128xi32, #tpu.memory_space<hbm>>
      tpu.wait_dma2 semaphore(%run_scoped3A : memref<!tpu.dma_semaphore, #tpu.memory_space<semaphore_mem>>) src(%dma_wait3A_36 : memref<79x128xi32, #tpu.memory_space<hbm>>) dst(%arg8 : memref<79x128xi32, #tpu.memory_space<vmem>>)
      tpu.yield
    }) : () -> ()
    %barrier3A = arith.constant 0 : index
    tpu.barrier barrier_id(%barrier3A)
    %scan3A = arith.constant 0 : i32
    %scan3A_7 = arith.constant 0 : i32
    %scan3A_8 = arith.constant 79 : i32
    %scan3A_9 = arith.addi %scan3A_7, %scan3A_8 : i32
    %scan3A_10 = arith.constant 1 : i32
    scf.for %scan3A_23 = %scan3A_7 to %scan3A_9 step %scan3A_10  : i32 {
      %dma_start3A = arith.constant 0 : i32
      %dma_start3A_24 = tpu.memref_slice %arg7[%scan3A_23, %dma_start3A] : memref<79x128xi32, #tpu.memory_space<vmem>> -> memref<1x128xi32, #tpu.memory_space<vmem>>
      %dma_start3A_25 = tpu.memref_squeeze %dma_start3A_24 : memref<1x128xi32, #tpu.memory_space<vmem>> -> memref<128xi32, #tpu.memory_space<vmem>>
      %dma_start3A_26 = arith.constant 0 : i32
      %dma_start3A_27 = arith.constant 0 : i32
      %dma_start3A_28 = tpu.memref_slice %arg2[%dma_start3A_26, %dma_start3A_27] : memref<20000x128xf32, #tpu.memory_space<hbm>> -> memref<20000x128xf32, #tpu.memory_space<hbm>>
      tpu.enqueue_indirect_dma source(%dma_start3A_28 : memref<20000x128xf32, #tpu.memory_space<hbm>>) target(%arg9 : memref<128x128xf32, #tpu.memory_space<vmem>>) offsets(%dma_start3A_25 : memref<128xi32, #tpu.memory_space<vmem>>) semaphore(%arg10 : memref<!tpu.dma_semaphore, #tpu.memory_space<semaphore_mem>>)
      %dma_wait3A = arith.constant 0 : i32
      %dma_wait3A_29 = tpu.memref_slice %arg7[%scan3A_23, %dma_wait3A] : memref<79x128xi32, #tpu.memory_space<vmem>> -> memref<1x128xi32, #tpu.memory_space<vmem>>
      %dma_wait3A_30 = tpu.memref_squeeze %dma_wait3A_29 : memref<1x128xi32, #tpu.memory_space<vmem>> -> memref<128xi32, #tpu.memory_space<vmem>>
      %dma_wait3A_31 = arith.constant 0 : i32
      %dma_wait3A_32 = arith.constant 0 : i32
      %dma_wait3A_33 = tpu.memref_slice %arg2[%dma_wait3A_31, %dma_wait3A_32] : memref<20000x128xf32, #tpu.memory_space<hbm>> -> memref<20000x128xf32, #tpu.memory_space<hbm>>
      tpu.wait_indirect_dma semaphore(%arg10 : memref<!tpu.dma_semaphore, #tpu.memory_space<semaphore_mem>>) src(%dma_wait3A_33 : memref<20000x128xf32, #tpu.memory_space<hbm>>) dst(%arg9 : memref<128x128xf32, #tpu.memory_space<vmem>>)
      "tpu.region"() ({
        %run_scoped3A = tpu.sem_alloc : memref<!tpu.dma_semaphore, #tpu.memory_space<semaphore_mem>>
        %dma_start3A_34 = arith.constant 0 : i32
        %dma_start3A_35 = tpu.memref_slice %arg8[%scan3A_23, %dma_start3A_34] : memref<79x128xi32, #tpu.memory_space<vmem>> -> memref<1x128xi32, #tpu.memory_space<vmem>>
        %dma_start3A_36 = tpu.memref_squeeze %dma_start3A_35 : memref<1x128xi32, #tpu.memory_space<vmem>> -> memref<128xi32, #tpu.memory_space<vmem>>
        %dma_start3A_37 = arith.constant 0 : i32
        %dma_start3A_38 = arith.constant 0 : i32
        %dma_start3A_39 = tpu.memref_slice %arg6[%dma_start3A_37, %dma_start3A_38] : memref<10240x128xf32, #tpu.memory_space<vmem_shared>> -> memref<10240x128xf32, #tpu.memory_space<vmem_shared>>
        tpu.enqueue_indirect_dma source(%arg9 : memref<128x128xf32, #tpu.memory_space<vmem>>) target(%dma_start3A_39 : memref<10240x128xf32, #tpu.memory_space<vmem_shared>>) offsets(%dma_start3A_36 : memref<128xi32, #tpu.memory_space<vmem>>) semaphore(%run_scoped3A : memref<!tpu.dma_semaphore, #tpu.memory_space<semaphore_mem>>) {add = true}
        %dma_wait3A_40 = arith.constant 0 : i32
        %dma_wait3A_41 = tpu.memref_slice %arg8[%scan3A_23, %dma_wait3A_40] : memref<79x128xi32, #tpu.memory_space<vmem>> -> memref<1x128xi32, #tpu.memory_space<vmem>>
        %dma_wait3A_42 = tpu.memref_squeeze %dma_wait3A_41 : memref<1x128xi32, #tpu.memory_space<vmem>> -> memref<128xi32, #tpu.memory_space<vmem>>
        %dma_wait3A_43 = arith.constant 0 : i32
        %dma_wait3A_44 = arith.constant 0 : i32
        %dma_wait3A_45 = tpu.memref_slice %arg6[%dma_wait3A_43, %dma_wait3A_44] : memref<10240x128xf32, #tpu.memory_space<vmem_shared>> -> memref<10240x128xf32, #tpu.memory_space<vmem_shared>>
        tpu.wait_indirect_dma semaphore(%run_scoped3A : memref<!tpu.dma_semaphore, #tpu.memory_space<semaphore_mem>>) src(%arg9 : memref<128x128xf32, #tpu.memory_space<vmem>>) dst(%dma_wait3A_45 : memref<10240x128xf32, #tpu.memory_space<vmem_shared>>)
        tpu.yield
      }) : () -> ()
    }
    %scan3A_11 = arith.constant 79 : i32
    %barrier3A_12 = arith.constant 0 : index
    tpu.barrier barrier_id(%barrier3A_12)
    %lt3A_13 = arith.constant 15 : i32
    %lt3A_14 = arith.cmpi slt, %arg1, %lt3A_13 : i32
    %convert_element_type3A_15 = arith.extui %lt3A_14 : i1 to i32
    %cond3A_16 = arith.constant 0 : i32
    %cond3A_17 = arith.cmpi ne, %convert_element_type3A_15, %cond3A_16 : i32
    scf.if %cond3A_17 {
      %mul3A_23 = arith.constant 632 : i32
      %mul3A_24 = arith.muli %arg1, %mul3A_23 : i32
      %mul3A_25 = arith.constant 10000 : i32
      %mul3A_26 = arith.muli %arg0, %mul3A_25 : i32
      %mul3A_27 = arith.constant 632 : i32
      %mul3A_28 = arith.muli %arg1, %mul3A_27 : i32
      %add3A_29 = arith.addi %mul3A_26, %mul3A_28 : i32
      "tpu.region"() ({
        %run_scoped3A = tpu.sem_alloc : memref<!tpu.dma_semaphore, #tpu.memory_space<semaphore_mem>>
        %dma_start3A = arith.constant 0 : i32
        %dma_start3A_30 = tpu.memref_slice %arg5[%add3A_29, %dma_start3A] : memref<20000x128xf32, #tpu.memory_space<hbm>> -> memref<632x128xf32, #tpu.memory_space<hbm>>
        %dma_start3A_31 = arith.constant 0 : i32
        %dma_start3A_32 = tpu.memref_slice %arg6[%mul3A_24, %dma_start3A_31] : memref<10240x128xf32, #tpu.memory_space<vmem_shared>> -> memref<632x128xf32, #tpu.memory_space<vmem_shared>>
        tpu.enqueue_dma source(%dma_start3A_32 : memref<632x128xf32, #tpu.memory_space<vmem_shared>>) target(%dma_start3A_30 : memref<632x128xf32, #tpu.memory_space<hbm>>) target_semaphore(%run_scoped3A : memref<!tpu.dma_semaphore, #tpu.memory_space<semaphore_mem>>)
        %dma_wait3A = arith.constant 0 : i32
        %dma_wait3A_33 = tpu.memref_slice %arg5[%add3A_29, %dma_wait3A] : memref<20000x128xf32, #tpu.memory_space<hbm>> -> memref<632x128xf32, #tpu.memory_space<hbm>>
        %dma_wait3A_34 = arith.constant 0 : i32
        %dma_wait3A_35 = tpu.memref_slice %arg6[%mul3A_24, %dma_wait3A_34] : memref<10240x128xf32, #tpu.memory_space<vmem_shared>> -> memref<632x128xf32, #tpu.memory_space<vmem_shared>>
        tpu.wait_dma2 semaphore(%run_scoped3A : memref<!tpu.dma_semaphore, #tpu.memory_space<semaphore_mem>>) src(%dma_wait3A_35 : memref<632x128xf32, #tpu.memory_space<vmem_shared>>) dst(%dma_wait3A_33 : memref<632x128xf32, #tpu.memory_space<hbm>>)
        tpu.yield
      }) : () -> ()
    } else {
    }
    %eq3A_18 = arith.constant 15 : i32
    %eq3A_19 = arith.cmpi eq, %arg1, %eq3A_18 : i32
    %convert_element_type3A_20 = arith.extui %eq3A_19 : i1 to i32
    %cond3A_21 = arith.constant 0 : i32
    %cond3A_22 = arith.cmpi ne, %convert_element_type3A_20, %cond3A_21 : i32
    scf.if %cond3A_22 {
      %mul3A_23 = arith.constant 10000 : i32
      %mul3A_24 = arith.muli %arg0, %mul3A_23 : i32
      %add3A_25 = arith.constant 9480 : i32
      %add3A_26 = arith.addi %mul3A_24, %add3A_25 : i32
      "tpu.region"() ({
        %run_scoped3A = tpu.sem_alloc : memref<!tpu.dma_semaphore, #tpu.memory_space<semaphore_mem>>
        %dma_start3A = arith.constant 0 : i32
        %dma_start3A_27 = tpu.memref_slice %arg5[%add3A_26, %dma_start3A] : memref<20000x128xf32, #tpu.memory_space<hbm>> -> memref<520x128xf32, #tpu.memory_space<hbm>>
        %dma_start3A_28 = arith.constant 9480 : i32
        %dma_start3A_29 = arith.constant 0 : i32
        %dma_start3A_30 = tpu.memref_slice %arg6[%dma_start3A_28, %dma_start3A_29] : memref<10240x128xf32, #tpu.memory_space<vmem_shared>> -> memref<520x128xf32, #tpu.memory_space<vmem_shared>>
        tpu.enqueue_dma source(%dma_start3A_30 : memref<520x128xf32, #tpu.memory_space<vmem_shared>>) target(%dma_start3A_27 : memref<520x128xf32, #tpu.memory_space<hbm>>) target_semaphore(%run_scoped3A : memref<!tpu.dma_semaphore, #tpu.memory_space<semaphore_mem>>)
        %dma_wait3A = arith.constant 0 : i32
        %dma_wait3A_31 = tpu.memref_slice %arg5[%add3A_26, %dma_wait3A] : memref<20000x128xf32, #tpu.memory_space<hbm>> -> memref<520x128xf32, #tpu.memory_space<hbm>>
        %dma_wait3A_32 = arith.constant 9480 : i32
        %dma_wait3A_33 = arith.constant 0 : i32
        %dma_wait3A_34 = tpu.memref_slice %arg6[%dma_wait3A_32, %dma_wait3A_33] : memref<10240x128xf32, #tpu.memory_space<vmem_shared>> -> memref<520x128xf32, #tpu.memory_space<vmem_shared>>
        tpu.wait_dma2 semaphore(%run_scoped3A : memref<!tpu.dma_semaphore, #tpu.memory_space<semaphore_mem>>) src(%dma_wait3A_34 : memref<520x128xf32, #tpu.memory_space<vmem_shared>>) dst(%dma_wait3A_31 : memref<520x128xf32, #tpu.memory_space<hbm>>)
        tpu.yield
      }) : () -> ()
    } else {
    }
    return
  }
}

#map = affine_map<(d0, d1) -> (0, 0)>
#map1 = affine_map<(d0, d1) -> (0, 0, 0)>
module attributes {stable_mosaic.version = 14 : i64} {
  func.func @_agg_body(%arg0: i32, %arg1: i32, %arg2: memref<20000x128xf32, #tpu.memory_space<hbm>>, %arg3: memref<32x79x128xi32, #tpu.memory_space<hbm>>, %arg4: memref<16x79x128xi32, #tpu.memory_space<hbm>>, %arg5: memref<20000x128xf32, #tpu.memory_space<hbm>>, %arg6: memref<10240x128xf32, #tpu.memory_space<vmem_shared>>, %arg7: memref<79x128xi32, #tpu.memory_space<vmem>>, %arg8: memref<79x128xi32, #tpu.memory_space<vmem>>, %arg9: memref<128x128xf32, #tpu.memory_space<vmem>>, %arg10: memref<!tpu.dma_semaphore, #tpu.memory_space<semaphore_mem>>) attributes {dimension_semantics = [#tpu.dimension_semantics<core_parallel>, #tpu.dimension_semantics<subcore_parallel>], iteration_bounds = array<i64: 2, 16>, scalar_prefetch = 0 : i64, scratch_operands = 5 : i64, tpu.core_type = #tpu.core_type<sc_vector_subcore>, window_params = [{transform_indices = #map}, {transform_indices = #map1}, {transform_indices = #map1}, {transform_indices = #map}]} {
    %mul3A = arith.constant 16 : i32
    %mul3A_0 = arith.muli %arg0, %mul3A : i32
    %add3A = arith.addi %mul3A_0, %arg1 : i32
    %lt3A = arith.constant 15 : i32
    %lt3A_1 = arith.cmpi slt, %arg1, %lt3A : i32
    %convert_element_type3A = arith.extui %lt3A_1 : i1 to i32
    %cond3A = arith.constant 0 : i32
    %cond3A_2 = arith.cmpi ne, %convert_element_type3A, %cond3A : i32
    scf.if %cond3A_2 {
      %mul3A_23 = arith.constant 10000 : i32
      %mul3A_24 = arith.muli %arg0, %mul3A_23 : i32
      %mul3A_25 = arith.constant 632 : i32
      %mul3A_26 = arith.muli %arg1, %mul3A_25 : i32
      %add3A_27 = arith.addi %mul3A_24, %mul3A_26 : i32
      %mul3A_28 = arith.constant 632 : i32
      %mul3A_29 = arith.muli %arg1, %mul3A_28 : i32
      "tpu.region"() ({
        %run_scoped3A = tpu.sem_alloc : memref<!tpu.dma_semaphore, #tpu.memory_space<semaphore_mem>>
        %dma_start3A = arith.constant 0 : i32
        %dma_start3A_30 = tpu.memref_slice %arg6[%mul3A_29, %dma_start3A] : memref<10240x128xf32, #tpu.memory_space<vmem_shared>> -> memref<632x128xf32, #tpu.memory_space<vmem_shared>>
        %dma_start3A_31 = arith.constant 0 : i32
        %dma_start3A_32 = tpu.memref_slice %arg2[%add3A_27, %dma_start3A_31] : memref<20000x128xf32, #tpu.memory_space<hbm>> -> memref<632x128xf32, #tpu.memory_space<hbm>>
        tpu.enqueue_dma source(%dma_start3A_32 : memref<632x128xf32, #tpu.memory_space<hbm>>) target(%dma_start3A_30 : memref<632x128xf32, #tpu.memory_space<vmem_shared>>) target_semaphore(%run_scoped3A : memref<!tpu.dma_semaphore, #tpu.memory_space<semaphore_mem>>)
        %dma_wait3A = arith.constant 0 : i32
        %dma_wait3A_33 = tpu.memref_slice %arg6[%mul3A_29, %dma_wait3A] : memref<10240x128xf32, #tpu.memory_space<vmem_shared>> -> memref<632x128xf32, #tpu.memory_space<vmem_shared>>
        %dma_wait3A_34 = arith.constant 0 : i32
        %dma_wait3A_35 = tpu.memref_slice %arg2[%add3A_27, %dma_wait3A_34] : memref<20000x128xf32, #tpu.memory_space<hbm>> -> memref<632x128xf32, #tpu.memory_space<hbm>>
        tpu.wait_dma2 semaphore(%run_scoped3A : memref<!tpu.dma_semaphore, #tpu.memory_space<semaphore_mem>>) src(%dma_wait3A_35 : memref<632x128xf32, #tpu.memory_space<hbm>>) dst(%dma_wait3A_33 : memref<632x128xf32, #tpu.memory_space<vmem_shared>>)
        tpu.yield
      }) : () -> ()
    } else {
    }
    %eq3A = arith.constant 15 : i32
    %eq3A_3 = arith.cmpi eq, %arg1, %eq3A : i32
    %convert_element_type3A_4 = arith.extui %eq3A_3 : i1 to i32
    %cond3A_5 = arith.constant 0 : i32
    %cond3A_6 = arith.cmpi ne, %convert_element_type3A_4, %cond3A_5 : i32
    scf.if %cond3A_6 {
      %mul3A_23 = arith.constant 10000 : i32
      %mul3A_24 = arith.muli %arg0, %mul3A_23 : i32
      %add3A_25 = arith.constant 9480 : i32
      %add3A_26 = arith.addi %mul3A_24, %add3A_25 : i32
      "tpu.region"() ({
        %run_scoped3A = tpu.sem_alloc : memref<!tpu.dma_semaphore, #tpu.memory_space<semaphore_mem>>
        %dma_start3A = arith.constant 9480 : i32
        %dma_start3A_27 = arith.constant 0 : i32
        %dma_start3A_28 = tpu.memref_slice %arg6[%dma_start3A, %dma_start3A_27] : memref<10240x128xf32, #tpu.memory_space<vmem_shared>> -> memref<520x128xf32, #tpu.memory_space<vmem_shared>>
        %dma_start3A_29 = arith.constant 0 : i32
        %dma_start3A_30 = tpu.memref_slice %arg2[%add3A_26, %dma_start3A_29] : memref<20000x128xf32, #tpu.memory_space<hbm>> -> memref<520x128xf32, #tpu.memory_space<hbm>>
        tpu.enqueue_dma source(%dma_start3A_30 : memref<520x128xf32, #tpu.memory_space<hbm>>) target(%dma_start3A_28 : memref<520x128xf32, #tpu.memory_space<vmem_shared>>) target_semaphore(%run_scoped3A : memref<!tpu.dma_semaphore, #tpu.memory_space<semaphore_mem>>)
        %dma_wait3A = arith.constant 9480 : i32
        %dma_wait3A_31 = arith.constant 0 : i32
        %dma_wait3A_32 = tpu.memref_slice %arg6[%dma_wait3A, %dma_wait3A_31] : memref<10240x128xf32, #tpu.memory_space<vmem_shared>> -> memref<520x128xf32, #tpu.memory_space<vmem_shared>>
        %dma_wait3A_33 = arith.constant 0 : i32
        %dma_wait3A_34 = tpu.memref_slice %arg2[%add3A_26, %dma_wait3A_33] : memref<20000x128xf32, #tpu.memory_space<hbm>> -> memref<520x128xf32, #tpu.memory_space<hbm>>
        tpu.wait_dma2 semaphore(%run_scoped3A : memref<!tpu.dma_semaphore, #tpu.memory_space<semaphore_mem>>) src(%dma_wait3A_34 : memref<520x128xf32, #tpu.memory_space<hbm>>) dst(%dma_wait3A_32 : memref<520x128xf32, #tpu.memory_space<vmem_shared>>)
        tpu.yield
      }) : () -> ()
    } else {
    }
    "tpu.region"() ({
      %run_scoped3A = tpu.sem_alloc : memref<!tpu.dma_semaphore, #tpu.memory_space<semaphore_mem>>
      %dma_start3A = arith.constant 0 : i32
      %dma_start3A_23 = arith.constant 0 : i32
      %dma_start3A_24 = tpu.memref_slice %arg3[%add3A, %dma_start3A, %dma_start3A_23] : memref<32x79x128xi32, #tpu.memory_space<hbm>> -> memref<1x79x128xi32, #tpu.memory_space<hbm>>
      %dma_start3A_25 = tpu.memref_squeeze %dma_start3A_24 : memref<1x79x128xi32, #tpu.memory_space<hbm>> -> memref<79x128xi32, #tpu.memory_space<hbm>>
      %dma_start3A_26 = arith.constant 0 : i32
      %dma_start3A_27 = arith.constant 0 : i32
      %dma_start3A_28 = tpu.memref_slice %arg3[%add3A, %dma_start3A_26, %dma_start3A_27] : memref<32x79x128xi32, #tpu.memory_space<hbm>> -> memref<1x79x128xi32, #tpu.memory_space<hbm>>
      %dma_start3A_29 = tpu.memref_squeeze %dma_start3A_28 : memref<1x79x128xi32, #tpu.memory_space<hbm>> -> memref<79x128xi32, #tpu.memory_space<hbm>>
      tpu.enqueue_dma source(%dma_start3A_29 : memref<79x128xi32, #tpu.memory_space<hbm>>) target(%arg7 : memref<79x128xi32, #tpu.memory_space<vmem>>) target_semaphore(%run_scoped3A : memref<!tpu.dma_semaphore, #tpu.memory_space<semaphore_mem>>)
      %dma_wait3A = arith.constant 0 : i32
      %dma_wait3A_30 = arith.constant 0 : i32
      %dma_wait3A_31 = tpu.memref_slice %arg3[%add3A, %dma_wait3A, %dma_wait3A_30] : memref<32x79x128xi32, #tpu.memory_space<hbm>> -> memref<1x79x128xi32, #tpu.memory_space<hbm>>
      %dma_wait3A_32 = tpu.memref_squeeze %dma_wait3A_31 : memref<1x79x128xi32, #tpu.memory_space<hbm>> -> memref<79x128xi32, #tpu.memory_space<hbm>>
      %dma_wait3A_33 = arith.constant 0 : i32
      %dma_wait3A_34 = arith.constant 0 : i32
      %dma_wait3A_35 = tpu.memref_slice %arg3[%add3A, %dma_wait3A_33, %dma_wait3A_34] : memref<32x79x128xi32, #tpu.memory_space<hbm>> -> memref<1x79x128xi32, #tpu.memory_space<hbm>>
      %dma_wait3A_36 = tpu.memref_squeeze %dma_wait3A_35 : memref<1x79x128xi32, #tpu.memory_space<hbm>> -> memref<79x128xi32, #tpu.memory_space<hbm>>
      tpu.wait_dma2 semaphore(%run_scoped3A : memref<!tpu.dma_semaphore, #tpu.memory_space<semaphore_mem>>) src(%dma_wait3A_36 : memref<79x128xi32, #tpu.memory_space<hbm>>) dst(%arg7 : memref<79x128xi32, #tpu.memory_space<vmem>>)
      tpu.yield
    }) : () -> ()
    "tpu.region"() ({
      %run_scoped3A = tpu.sem_alloc : memref<!tpu.dma_semaphore, #tpu.memory_space<semaphore_mem>>
      %dma_start3A = arith.constant 0 : i32
      %dma_start3A_23 = arith.constant 0 : i32
      %dma_start3A_24 = tpu.memref_slice %arg4[%arg1, %dma_start3A, %dma_start3A_23] : memref<16x79x128xi32, #tpu.memory_space<hbm>> -> memref<1x79x128xi32, #tpu.memory_space<hbm>>
      %dma_start3A_25 = tpu.memref_squeeze %dma_start3A_24 : memref<1x79x128xi32, #tpu.memory_space<hbm>> -> memref<79x128xi32, #tpu.memory_space<hbm>>
      %dma_start3A_26 = arith.constant 0 : i32
      %dma_start3A_27 = arith.constant 0 : i32
      %dma_start3A_28 = tpu.memref_slice %arg4[%arg1, %dma_start3A_26, %dma_start3A_27] : memref<16x79x128xi32, #tpu.memory_space<hbm>> -> memref<1x79x128xi32, #tpu.memory_space<hbm>>
      %dma_start3A_29 = tpu.memref_squeeze %dma_start3A_28 : memref<1x79x128xi32, #tpu.memory_space<hbm>> -> memref<79x128xi32, #tpu.memory_space<hbm>>
      tpu.enqueue_dma source(%dma_start3A_29 : memref<79x128xi32, #tpu.memory_space<hbm>>) target(%arg8 : memref<79x128xi32, #tpu.memory_space<vmem>>) target_semaphore(%run_scoped3A : memref<!tpu.dma_semaphore, #tpu.memory_space<semaphore_mem>>)
      %dma_wait3A = arith.constant 0 : i32
      %dma_wait3A_30 = arith.constant 0 : i32
      %dma_wait3A_31 = tpu.memref_slice %arg4[%arg1, %dma_wait3A, %dma_wait3A_30] : memref<16x79x128xi32, #tpu.memory_space<hbm>> -> memref<1x79x128xi32, #tpu.memory_space<hbm>>
      %dma_wait3A_32 = tpu.memref_squeeze %dma_wait3A_31 : memref<1x79x128xi32, #tpu.memory_space<hbm>> -> memref<79x128xi32, #tpu.memory_space<hbm>>
      %dma_wait3A_33 = arith.constant 0 : i32
      %dma_wait3A_34 = arith.constant 0 : i32
      %dma_wait3A_35 = tpu.memref_slice %arg4[%arg1, %dma_wait3A_33, %dma_wait3A_34] : memref<16x79x128xi32, #tpu.memory_space<hbm>> -> memref<1x79x128xi32, #tpu.memory_space<hbm>>
      %dma_wait3A_36 = tpu.memref_squeeze %dma_wait3A_35 : memref<1x79x128xi32, #tpu.memory_space<hbm>> -> memref<79x128xi32, #tpu.memory_space<hbm>>
      tpu.wait_dma2 semaphore(%run_scoped3A : memref<!tpu.dma_semaphore, #tpu.memory_space<semaphore_mem>>) src(%dma_wait3A_36 : memref<79x128xi32, #tpu.memory_space<hbm>>) dst(%arg8 : memref<79x128xi32, #tpu.memory_space<vmem>>)
      tpu.yield
    }) : () -> ()
    %barrier3A = arith.constant 0 : index
    tpu.barrier barrier_id(%barrier3A)
    %scan3A = arith.constant 0 : i32
    %scan3A_7 = arith.constant 0 : i32
    %scan3A_8 = arith.constant 79 : i32
    %scan3A_9 = arith.addi %scan3A_7, %scan3A_8 : i32
    %scan3A_10 = arith.constant 1 : i32
    scf.for %scan3A_23 = %scan3A_7 to %scan3A_9 step %scan3A_10  : i32 {
      %dma_start3A = arith.constant 0 : i32
      %dma_start3A_24 = tpu.memref_slice %arg7[%scan3A_23, %dma_start3A] : memref<79x128xi32, #tpu.memory_space<vmem>> -> memref<1x128xi32, #tpu.memory_space<vmem>>
      %dma_start3A_25 = tpu.memref_squeeze %dma_start3A_24 : memref<1x128xi32, #tpu.memory_space<vmem>> -> memref<128xi32, #tpu.memory_space<vmem>>
      %dma_start3A_26 = arith.constant 0 : i32
      %dma_start3A_27 = arith.constant 0 : i32
      %dma_start3A_28 = tpu.memref_slice %arg2[%dma_start3A_26, %dma_start3A_27] : memref<20000x128xf32, #tpu.memory_space<hbm>> -> memref<20000x128xf32, #tpu.memory_space<hbm>>
      tpu.enqueue_indirect_dma source(%dma_start3A_28 : memref<20000x128xf32, #tpu.memory_space<hbm>>) target(%arg9 : memref<128x128xf32, #tpu.memory_space<vmem>>) offsets(%dma_start3A_25 : memref<128xi32, #tpu.memory_space<vmem>>) semaphore(%arg10 : memref<!tpu.dma_semaphore, #tpu.memory_space<semaphore_mem>>)
      %dma_wait3A = arith.constant 0 : i32
      %dma_wait3A_29 = tpu.memref_slice %arg7[%scan3A_23, %dma_wait3A] : memref<79x128xi32, #tpu.memory_space<vmem>> -> memref<1x128xi32, #tpu.memory_space<vmem>>
      %dma_wait3A_30 = tpu.memref_squeeze %dma_wait3A_29 : memref<1x128xi32, #tpu.memory_space<vmem>> -> memref<128xi32, #tpu.memory_space<vmem>>
      %dma_wait3A_31 = arith.constant 0 : i32
      %dma_wait3A_32 = arith.constant 0 : i32
      %dma_wait3A_33 = tpu.memref_slice %arg2[%dma_wait3A_31, %dma_wait3A_32] : memref<20000x128xf32, #tpu.memory_space<hbm>> -> memref<20000x128xf32, #tpu.memory_space<hbm>>
      tpu.wait_indirect_dma semaphore(%arg10 : memref<!tpu.dma_semaphore, #tpu.memory_space<semaphore_mem>>) src(%dma_wait3A_33 : memref<20000x128xf32, #tpu.memory_space<hbm>>) dst(%arg9 : memref<128x128xf32, #tpu.memory_space<vmem>>)
      "tpu.region"() ({
        %run_scoped3A = tpu.sem_alloc : memref<!tpu.dma_semaphore, #tpu.memory_space<semaphore_mem>>
        %dma_start3A_34 = arith.constant 0 : i32
        %dma_start3A_35 = tpu.memref_slice %arg8[%scan3A_23, %dma_start3A_34] : memref<79x128xi32, #tpu.memory_space<vmem>> -> memref<1x128xi32, #tpu.memory_space<vmem>>
        %dma_start3A_36 = tpu.memref_squeeze %dma_start3A_35 : memref<1x128xi32, #tpu.memory_space<vmem>> -> memref<128xi32, #tpu.memory_space<vmem>>
        %dma_start3A_37 = arith.constant 0 : i32
        %dma_start3A_38 = arith.constant 0 : i32
        %dma_start3A_39 = tpu.memref_slice %arg6[%dma_start3A_37, %dma_start3A_38] : memref<10240x128xf32, #tpu.memory_space<vmem_shared>> -> memref<10240x128xf32, #tpu.memory_space<vmem_shared>>
        tpu.enqueue_indirect_dma source(%arg9 : memref<128x128xf32, #tpu.memory_space<vmem>>) target(%dma_start3A_39 : memref<10240x128xf32, #tpu.memory_space<vmem_shared>>) offsets(%dma_start3A_36 : memref<128xi32, #tpu.memory_space<vmem>>) semaphore(%run_scoped3A : memref<!tpu.dma_semaphore, #tpu.memory_space<semaphore_mem>>) {add = true}
        %dma_wait3A_40 = arith.constant 0 : i32
        %dma_wait3A_41 = tpu.memref_slice %arg8[%scan3A_23, %dma_wait3A_40] : memref<79x128xi32, #tpu.memory_space<vmem>> -> memref<1x128xi32, #tpu.memory_space<vmem>>
        %dma_wait3A_42 = tpu.memref_squeeze %dma_wait3A_41 : memref<1x128xi32, #tpu.memory_space<vmem>> -> memref<128xi32, #tpu.memory_space<vmem>>
        %dma_wait3A_43 = arith.constant 0 : i32
        %dma_wait3A_44 = arith.constant 0 : i32
        %dma_wait3A_45 = tpu.memref_slice %arg6[%dma_wait3A_43, %dma_wait3A_44] : memref<10240x128xf32, #tpu.memory_space<vmem_shared>> -> memref<10240x128xf32, #tpu.memory_space<vmem_shared>>
        tpu.wait_indirect_dma semaphore(%run_scoped3A : memref<!tpu.dma_semaphore, #tpu.memory_space<semaphore_mem>>) src(%arg9 : memref<128x128xf32, #tpu.memory_space<vmem>>) dst(%dma_wait3A_45 : memref<10240x128xf32, #tpu.memory_space<vmem_shared>>)
        tpu.yield
      }) : () -> ()
    }
    %scan3A_11 = arith.constant 79 : i32
    %barrier3A_12 = arith.constant 0 : index
    tpu.barrier barrier_id(%barrier3A_12)
    %lt3A_13 = arith.constant 15 : i32
    %lt3A_14 = arith.cmpi slt, %arg1, %lt3A_13 : i32
    %convert_element_type3A_15 = arith.extui %lt3A_14 : i1 to i32
    %cond3A_16 = arith.constant 0 : i32
    %cond3A_17 = arith.cmpi ne, %convert_element_type3A_15, %cond3A_16 : i32
    scf.if %cond3A_17 {
      %mul3A_23 = arith.constant 632 : i32
      %mul3A_24 = arith.muli %arg1, %mul3A_23 : i32
      %mul3A_25 = arith.constant 10000 : i32
      %mul3A_26 = arith.muli %arg0, %mul3A_25 : i32
      %mul3A_27 = arith.constant 632 : i32
      %mul3A_28 = arith.muli %arg1, %mul3A_27 : i32
      %add3A_29 = arith.addi %mul3A_26, %mul3A_28 : i32
      "tpu.region"() ({
        %run_scoped3A = tpu.sem_alloc : memref<!tpu.dma_semaphore, #tpu.memory_space<semaphore_mem>>
        %dma_start3A = arith.constant 0 : i32
        %dma_start3A_30 = tpu.memref_slice %arg5[%add3A_29, %dma_start3A] : memref<20000x128xf32, #tpu.memory_space<hbm>> -> memref<632x128xf32, #tpu.memory_space<hbm>>
        %dma_start3A_31 = arith.constant 0 : i32
        %dma_start3A_32 = tpu.memref_slice %arg6[%mul3A_24, %dma_start3A_31] : memref<10240x128xf32, #tpu.memory_space<vmem_shared>> -> memref<632x128xf32, #tpu.memory_space<vmem_shared>>
        tpu.enqueue_dma source(%dma_start3A_32 : memref<632x128xf32, #tpu.memory_space<vmem_shared>>) target(%dma_start3A_30 : memref<632x128xf32, #tpu.memory_space<hbm>>) target_semaphore(%run_scoped3A : memref<!tpu.dma_semaphore, #tpu.memory_space<semaphore_mem>>)
        %dma_wait3A = arith.constant 0 : i32
        %dma_wait3A_33 = tpu.memref_slice %arg5[%add3A_29, %dma_wait3A] : memref<20000x128xf32, #tpu.memory_space<hbm>> -> memref<632x128xf32, #tpu.memory_space<hbm>>
        %dma_wait3A_34 = arith.constant 0 : i32
        %dma_wait3A_35 = tpu.memref_slice %arg6[%mul3A_24, %dma_wait3A_34] : memref<10240x128xf32, #tpu.memory_space<vmem_shared>> -> memref<632x128xf32, #tpu.memory_space<vmem_shared>>
        tpu.wait_dma2 semaphore(%run_scoped3A : memref<!tpu.dma_semaphore, #tpu.memory_space<semaphore_mem>>) src(%dma_wait3A_35 : memref<632x128xf32, #tpu.memory_space<vmem_shared>>) dst(%dma_wait3A_33 : memref<632x128xf32, #tpu.memory_space<hbm>>)
        tpu.yield
      }) : () -> ()
    } else {
    }
    %eq3A_18 = arith.constant 15 : i32
    %eq3A_19 = arith.cmpi eq, %arg1, %eq3A_18 : i32
    %convert_element_type3A_20 = arith.extui %eq3A_19 : i1 to i32
    %cond3A_21 = arith.constant 0 : i32
    %cond3A_22 = arith.cmpi ne, %convert_element_type3A_20, %cond3A_21 : i32
    scf.if %cond3A_22 {
      %mul3A_23 = arith.constant 10000 : i32
      %mul3A_24 = arith.muli %arg0, %mul3A_23 : i32
      %add3A_25 = arith.constant 9480 : i32
      %add3A_26 = arith.addi %mul3A_24, %add3A_25 : i32
      "tpu.region"() ({
        %run_scoped3A = tpu.sem_alloc : memref<!tpu.dma_semaphore, #tpu.memory_space<semaphore_mem>>
        %dma_start3A = arith.constant 0 : i32
        %dma_start3A_27 = tpu.memref_slice %arg5[%add3A_26, %dma_start3A] : memref<20000x128xf32, #tpu.memory_space<hbm>> -> memref<520x128xf32, #tpu.memory_space<hbm>>
        %dma_start3A_28 = arith.constant 9480 : i32
        %dma_start3A_29 = arith.constant 0 : i32
        %dma_start3A_30 = tpu.memref_slice %arg6[%dma_start3A_28, %dma_start3A_29] : memref<10240x128xf32, #tpu.memory_space<vmem_shared>> -> memref<520x128xf32, #tpu.memory_space<vmem_shared>>
        tpu.enqueue_dma source(%dma_start3A_30 : memref<520x128xf32, #tpu.memory_space<vmem_shared>>) target(%dma_start3A_27 : memref<520x128xf32, #tpu.memory_space<hbm>>) target_semaphore(%run_scoped3A : memref<!tpu.dma_semaphore, #tpu.memory_space<semaphore_mem>>)
        %dma_wait3A = arith.constant 0 : i32
        %dma_wait3A_31 = tpu.memref_slice %arg5[%add3A_26, %dma_wait3A] : memref<20000x128xf32, #tpu.memory_space<hbm>> -> memref<520x128xf32, #tpu.memory_space<hbm>>
        %dma_wait3A_32 = arith.constant 9480 : i32
        %dma_wait3A_33 = arith.constant 0 : i32
        %dma_wait3A_34 = tpu.memref_slice %arg6[%dma_wait3A_32, %dma_wait3A_33] : memref<10240x128xf32, #tpu.memory_space<vmem_shared>> -> memref<520x128xf32, #tpu.memory_space<vmem_shared>>
        tpu.wait_dma2 semaphore(%run_scoped3A : memref<!tpu.dma_semaphore, #tpu.memory_space<semaphore_mem>>) src(%dma_wait3A_34 : memref<520x128xf32, #tpu.memory_space<vmem_shared>>) dst(%dma_wait3A_31 : memref<520x128xf32, #tpu.memory_space<hbm>>)
        tpu.yield
      }) : () -> ()
    } else {
    }
    return
  }
}

module attributes {stable_mosaic.version = 14 : i64} {
  func.func @_tc1_body(%arg0: i32, %arg1: memref<2000x256xf32, #tpu.memory_space<vmem>>, %arg2: memref<256x256xf32, #tpu.memory_space<vmem>>, %arg3: memref<2000x2xf32, #tpu.memory_space<vmem>>, %arg4: memref<2x2000x128xf32, #tpu.memory_space<vmem>>, %arg5: memref<2000x1xf32, #tpu.memory_space<vmem>>) attributes {dimension_semantics = [#tpu.dimension_semantics<arbitrary>], iteration_bounds = array<i64: 5>, scalar_prefetch = 0 : i64, scratch_operands = 0 : i64, tpu.core_type = #tpu.core_type<tc>, window_params = [{transform_indices = @transform_0, window_bounds = array<i64: 2000, 256>}, {pipeline_mode = #tpu.pipeline_mode<synchronous>, transform_indices = @transform_1, window_bounds = array<i64: 256, 256>}, {transform_indices = @transform_2, window_bounds = array<i64: 2000, 2>}, {transform_indices = @transform_3, window_bounds = array<i64: 2, 2000, 128>}, {transform_indices = @transform_4, window_bounds = array<i64: 2000, 1>}]} {
    %get3A = arith.constant 0 : index
    %get3A_0 = arith.constant 0 : index
    %get3A_1 = vector.load %arg3[%get3A, %get3A_0] : memref<2000x2xf32, #tpu.memory_space<vmem>>, vector<2000x2xf32>
    %reduce_sum3A = arith.constant dense<0.000000e+00> : vector<2000xf32>
    %reduce_sum3A_2 = vector.multi_reduction <add>, %get3A_1, %reduce_sum3A [1] : vector<2000x2xf32> to vector<2000xf32>
    %broadcast_in_dim3A = vector.shape_cast %reduce_sum3A_2 : vector<2000xf32> to vector<2000x1xf32>
    %add3A = arith.constant 1.000000e+00 : f32
    %add3A_3 = vector.broadcast %add3A : f32 to vector<2000x1xf32>
    %add3A_4 = arith.addf %add3A_3, %broadcast_in_dim3A : vector<2000x1xf32>
    %rsqrt3A = math.rsqrt %add3A_4 : vector<2000x1xf32>
    %get3A_5 = arith.constant 0 : index
    %get3A_6 = arith.constant 0 : index
    %get3A_7 = vector.load %arg1[%get3A_5, %get3A_6] : memref<2000x256xf32, #tpu.memory_space<vmem>>, vector<2000x256xf32>
    %get3A_8 = arith.constant 0 : index
    %get3A_9 = arith.constant 0 : index
    %get3A_10 = vector.load %arg2[%get3A_8, %get3A_9] : memref<256x256xf32, #tpu.memory_space<vmem>>, vector<256x256xf32>
    %dot_general3A = arith.constant dense<0.000000e+00> : vector<2000x256xf32>
    %dot_general3A_11 = tpu.matmul %get3A_7, %get3A_10, %dot_general3A {dimension_numbers = #tpu.dot_dimension_numbers<[1], [0], [0], [1], [0, 0, 1, 1], [], []>, precision = #tpu.contract_precision<fp32>, transpose_lhs_hint = false} : vector<2000x256xf32>, vector<256x256xf32>, vector<2000x256xf32> -> vector<2000x256xf32>
    %mul3A = vector.broadcast %rsqrt3A : vector<2000x1xf32> to vector<2000x256xf32>
    %mul3A_12 = arith.mulf %dot_general3A_11, %mul3A : vector<2000x256xf32>
    %slice3A = vector.extract_strided_slice %mul3A_12 {offsets = [0, 0], sizes = [2000, 128], strides = [1, 1]} : vector<2000x256xf32> to vector<2000x128xf32>
    %swap3A = arith.constant 0 : index
    %swap3A_13 = arith.constant 0 : index
    %swap3A_14 = arith.constant 0 : index
    %swap3A_15 = vector.load %arg4[%swap3A, %swap3A_13, %swap3A_14] : memref<2x2000x128xf32, #tpu.memory_space<vmem>>, vector<1x2000x128xf32>
    %swap3A_16 = vector.shape_cast %swap3A_15 : vector<1x2000x128xf32> to vector<2000x128xf32>
    %swap3A_17 = vector.shape_cast %slice3A : vector<2000x128xf32> to vector<1x2000x128xf32>
    tpu.vector_store %arg4[%swap3A, %swap3A_13, %swap3A_14], %swap3A_17 {strides = array<i32>} : memref<2x2000x128xf32, #tpu.memory_space<vmem>>, vector<1x2000x128xf32>,
    %slice3A_18 = vector.extract_strided_slice %mul3A_12 {offsets = [0, 128], sizes = [2000, 128], strides = [1, 1]} : vector<2000x256xf32> to vector<2000x128xf32>
    %swap3A_19 = arith.constant 1 : index
    %swap3A_20 = arith.constant 0 : index
    %swap3A_21 = arith.constant 0 : index
    %swap3A_22 = vector.load %arg4[%swap3A_19, %swap3A_20, %swap3A_21] : memref<2x2000x128xf32, #tpu.memory_space<vmem>>, vector<1x2000x128xf32>
    %swap3A_23 = vector.shape_cast %swap3A_22 : vector<1x2000x128xf32> to vector<2000x128xf32>
    %swap3A_24 = vector.shape_cast %slice3A_18 : vector<2000x128xf32> to vector<1x2000x128xf32>
    tpu.vector_store %arg4[%swap3A_19, %swap3A_20, %swap3A_21], %swap3A_24 {strides = array<i32>} : memref<2x2000x128xf32, #tpu.memory_space<vmem>>, vector<1x2000x128xf32>,
    %swap3A_25 = arith.constant 0 : index
    %swap3A_26 = arith.constant 0 : index
    %swap3A_27 = vector.load %arg5[%swap3A_25, %swap3A_26] : memref<2000x1xf32, #tpu.memory_space<vmem>>, vector<2000x1xf32>
    tpu.vector_store %arg5[%swap3A_25, %swap3A_26], %rsqrt3A {strides = array<i32>} : memref<2000x1xf32, #tpu.memory_space<vmem>>, vector<2000x1xf32>,
    return
  }
  func.func @transform_0(%arg0: i32) -> (i32, i32) {
    %c0_i32 = arith.constant 0 : i32
    %c0_i32_0 = arith.constant 0 : i32
    return %arg0, %c0_i32 : i32, i32
  }
  func.func @transform_1(%arg0: i32) -> (i32, i32) {
    %c0_i32 = arith.constant 0 : i32
    %c0_i32_0 = arith.constant 0 : i32
    %c0_i32_1 = arith.constant 0 : i32
    return %c0_i32, %c0_i32_0 : i32, i32
  }
  func.func @transform_2(%arg0: i32) -> (i32, i32) {
    %c0_i32 = arith.constant 0 : i32
    %c0_i32_0 = arith.constant 0 : i32
    return %arg0, %c0_i32 : i32, i32
  }
  func.func @transform_3(%arg0: i32) -> (i32, i32, i32) {
    %c0_i32 = arith.constant 0 : i32
    %c0_i32_0 = arith.constant 0 : i32
    %c0_i32_1 = arith.constant 0 : i32
    return %c0_i32, %arg0, %c0_i32_0 : i32, i32, i32
  }
  func.func @transform_4(%arg0: i32) -> (i32, i32) {
    %c0_i32 = arith.constant 0 : i32
    %c0_i32_0 = arith.constant 0 : i32
    return %arg0, %c0_i32 : i32, i32
  }
}

module attributes {stable_mosaic.version = 14 : i64} {
  func.func @_tc2_body(%arg0: i32, %arg1: memref<2x2000x128xf32, #tpu.memory_space<vmem>>, %arg2: memref<2000x1xf32, #tpu.memory_space<vmem>>, %arg3: memref<1x256xf32, #tpu.memory_space<vmem>>, %arg4: memref<256x256xf32, #tpu.memory_space<vmem>>, %arg5: memref<2x2000x128xf32, #tpu.memory_space<vmem>>) attributes {dimension_semantics = [#tpu.dimension_semantics<arbitrary>], iteration_bounds = array<i64: 5>, scalar_prefetch = 0 : i64, scratch_operands = 0 : i64, tpu.core_type = #tpu.core_type<tc>, window_params = [{transform_indices = @transform_0, window_bounds = array<i64: 2, 2000, 128>}, {transform_indices = @transform_1, window_bounds = array<i64: 2000, 1>}, {pipeline_mode = #tpu.pipeline_mode<synchronous>, transform_indices = @transform_2, window_bounds = array<i64: 1, 256>}, {pipeline_mode = #tpu.pipeline_mode<synchronous>, transform_indices = @transform_3, window_bounds = array<i64: 256, 256>}, {transform_indices = @transform_4, window_bounds = array<i64: 2, 2000, 128>}]} {
    %get3A = arith.constant 0 : index
    %get3A_0 = arith.constant 0 : index
    %get3A_1 = arith.constant 0 : index
    %get3A_2 = vector.load %arg1[%get3A, %get3A_0, %get3A_1] : memref<2x2000x128xf32, #tpu.memory_space<vmem>>, vector<1x2000x128xf32>
    %get3A_3 = vector.shape_cast %get3A_2 : vector<1x2000x128xf32> to vector<2000x128xf32>
    %get3A_4 = arith.constant 1 : index
    %get3A_5 = arith.constant 0 : index
    %get3A_6 = arith.constant 0 : index
    %get3A_7 = vector.load %arg1[%get3A_4, %get3A_5, %get3A_6] : memref<2x2000x128xf32, #tpu.memory_space<vmem>>, vector<1x2000x128xf32>
    %get3A_8 = vector.shape_cast %get3A_7 : vector<1x2000x128xf32> to vector<2000x128xf32>
    %concatenate3A = tpu.concatenate %get3A_3, %get3A_8 in 1 : vector<2000x128xf32>, vector<2000x128xf32> -> vector<2000x256xf32>
    %get3A_9 = arith.constant 0 : index
    %get3A_10 = arith.constant 0 : index
    %get3A_11 = vector.load %arg2[%get3A_9, %get3A_10] : memref<2000x1xf32, #tpu.memory_space<vmem>>, vector<2000x1xf32>
    %mul3A = vector.broadcast %get3A_11 : vector<2000x1xf32> to vector<2000x256xf32>
    %mul3A_12 = arith.mulf %concatenate3A, %mul3A : vector<2000x256xf32>
    %get3A_13 = arith.constant 0 : index
    %get3A_14 = arith.constant 0 : index
    %get3A_15 = vector.load %arg3[%get3A_13, %get3A_14] : memref<1x256xf32, #tpu.memory_space<vmem>>, vector<1x256xf32>
    %add3A = vector.broadcast %get3A_15 : vector<1x256xf32> to vector<2000x256xf32>
    %add3A_16 = arith.addf %mul3A_12, %add3A : vector<2000x256xf32>
    %ge3A = arith.constant 0.000000e+00 : f32
    %ge3A_17 = vector.broadcast %ge3A : f32 to vector<2000x256xf32>
    %ge3A_18 = arith.cmpf oge, %add3A_16, %ge3A_17 : vector<2000x256xf32>
    %mul3A_19 = arith.constant 0.00999999977 : f32
    %mul3A_20 = vector.broadcast %mul3A_19 : f32 to vector<2000x256xf32>
    %mul3A_21 = arith.mulf %mul3A_20, %add3A_16 : vector<2000x256xf32>
    %select_n3A = arith.select %ge3A_18, %add3A_16, %mul3A_21 : vector<2000x256xi1>, vector<2000x256xf32>
    %get3A_22 = arith.constant 0 : index
    %get3A_23 = arith.constant 0 : index
    %get3A_24 = vector.load %arg4[%get3A_22, %get3A_23] : memref<256x256xf32, #tpu.memory_space<vmem>>, vector<256x256xf32>
    %dot_general3A = arith.constant dense<0.000000e+00> : vector<2000x256xf32>
    %dot_general3A_25 = tpu.matmul %select_n3A, %get3A_24, %dot_general3A {dimension_numbers = #tpu.dot_dimension_numbers<[1], [0], [0], [1], [0, 0, 1, 1], [], []>, precision = #tpu.contract_precision<fp32>, transpose_lhs_hint = false} : vector<2000x256xf32>, vector<256x256xf32>, vector<2000x256xf32> -> vector<2000x256xf32>
    %mul3A_26 = vector.broadcast %get3A_11 : vector<2000x1xf32> to vector<2000x256xf32>
    %mul3A_27 = arith.mulf %dot_general3A_25, %mul3A_26 : vector<2000x256xf32>
    %slice3A = vector.extract_strided_slice %mul3A_27 {offsets = [0, 0], sizes = [2000, 128], strides = [1, 1]} : vector<2000x256xf32> to vector<2000x128xf32>
    %swap3A = arith.constant 0 : index
    %swap3A_28 = arith.constant 0 : index
    %swap3A_29 = arith.constant 0 : index
    %swap3A_30 = vector.load %arg5[%swap3A, %swap3A_28, %swap3A_29] : memref<2x2000x128xf32, #tpu.memory_space<vmem>>, vector<1x2000x128xf32>
    %swap3A_31 = vector.shape_cast %swap3A_30 : vector<1x2000x128xf32> to vector<2000x128xf32>
    %swap3A_32 = vector.shape_cast %slice3A : vector<2000x128xf32> to vector<1x2000x128xf32>
    tpu.vector_store %arg5[%swap3A, %swap3A_28, %swap3A_29], %swap3A_32 {strides = array<i32>} : memref<2x2000x128xf32, #tpu.memory_space<vmem>>, vector<1x2000x128xf32>,
    %slice3A_33 = vector.extract_strided_slice %mul3A_27 {offsets = [0, 128], sizes = [2000, 128], strides = [1, 1]} : vector<2000x256xf32> to vector<2000x128xf32>
    %swap3A_34 = arith.constant 1 : index
    %swap3A_35 = arith.constant 0 : index
    %swap3A_36 = arith.constant 0 : index
    %swap3A_37 = vector.load %arg5[%swap3A_34, %swap3A_35, %swap3A_36] : memref<2x2000x128xf32, #tpu.memory_space<vmem>>, vector<1x2000x128xf32>
    %swap3A_38 = vector.shape_cast %swap3A_37 : vector<1x2000x128xf32> to vector<2000x128xf32>
    %swap3A_39 = vector.shape_cast %slice3A_33 : vector<2000x128xf32> to vector<1x2000x128xf32>
    tpu.vector_store %arg5[%swap3A_34, %swap3A_35, %swap3A_36], %swap3A_39 {strides = array<i32>} : memref<2x2000x128xf32, #tpu.memory_space<vmem>>, vector<1x2000x128xf32>,
    return
  }
  func.func @transform_0(%arg0: i32) -> (i32, i32, i32) {
    %c0_i32 = arith.constant 0 : i32
    %c0_i32_0 = arith.constant 0 : i32
    %c0_i32_1 = arith.constant 0 : i32
    return %c0_i32, %arg0, %c0_i32_0 : i32, i32, i32
  }
  func.func @transform_1(%arg0: i32) -> (i32, i32) {
    %c0_i32 = arith.constant 0 : i32
    %c0_i32_0 = arith.constant 0 : i32
    return %arg0, %c0_i32 : i32, i32
  }
  func.func @transform_2(%arg0: i32) -> (i32, i32) {
    %c0_i32 = arith.constant 0 : i32
    %c0_i32_0 = arith.constant 0 : i32
    %c0_i32_1 = arith.constant 0 : i32
    return %c0_i32, %c0_i32_0 : i32, i32
  }
  func.func @transform_3(%arg0: i32) -> (i32, i32) {
    %c0_i32 = arith.constant 0 : i32
    %c0_i32_0 = arith.constant 0 : i32
    %c0_i32_1 = arith.constant 0 : i32
    return %c0_i32, %c0_i32_0 : i32, i32
  }
  func.func @transform_4(%arg0: i32) -> (i32, i32, i32) {
    %c0_i32 = arith.constant 0 : i32
    %c0_i32_0 = arith.constant 0 : i32
    %c0_i32_1 = arith.constant 0 : i32
    return %c0_i32, %arg0, %c0_i32_0 : i32, i32, i32
  }
}

module attributes {stable_mosaic.version = 14 : i64} {
  func.func @_tc3_body(%arg0: i32, %arg1: memref<2x2000x128xf32, #tpu.memory_space<vmem>>, %arg2: memref<2000x1xf32, #tpu.memory_space<vmem>>, %arg3: memref<1x256xf32, #tpu.memory_space<vmem>>, %arg4: memref<1x256xf32, #tpu.memory_space<vmem>>, %arg5: memref<1x1xf32, #tpu.memory_space<vmem>>, %arg6: memref<2000x1xf32, #tpu.memory_space<vmem>>) attributes {dimension_semantics = [#tpu.dimension_semantics<arbitrary>], iteration_bounds = array<i64: 5>, scalar_prefetch = 0 : i64, scratch_operands = 0 : i64, tpu.core_type = #tpu.core_type<tc>, window_params = [{transform_indices = @transform_0, window_bounds = array<i64: 2, 2000, 128>}, {transform_indices = @transform_1, window_bounds = array<i64: 2000, 1>}, {pipeline_mode = #tpu.pipeline_mode<synchronous>, transform_indices = @transform_2, window_bounds = array<i64: 1, 256>}, {pipeline_mode = #tpu.pipeline_mode<synchronous>, transform_indices = @transform_3, window_bounds = array<i64: 1, 256>}, {pipeline_mode = #tpu.pipeline_mode<synchronous>, transform_indices = @transform_4, window_bounds = array<i64: 1, 1>}, {transform_indices = @transform_5, window_bounds = array<i64: 2000, 1>}]} {
    %get3A = arith.constant 0 : index
    %get3A_0 = arith.constant 0 : index
    %get3A_1 = arith.constant 0 : index
    %get3A_2 = vector.load %arg1[%get3A, %get3A_0, %get3A_1] : memref<2x2000x128xf32, #tpu.memory_space<vmem>>, vector<1x2000x128xf32>
    %get3A_3 = vector.shape_cast %get3A_2 : vector<1x2000x128xf32> to vector<2000x128xf32>
    %get3A_4 = arith.constant 1 : index
    %get3A_5 = arith.constant 0 : index
    %get3A_6 = arith.constant 0 : index
    %get3A_7 = vector.load %arg1[%get3A_4, %get3A_5, %get3A_6] : memref<2x2000x128xf32, #tpu.memory_space<vmem>>, vector<1x2000x128xf32>
    %get3A_8 = vector.shape_cast %get3A_7 : vector<1x2000x128xf32> to vector<2000x128xf32>
    %concatenate3A = tpu.concatenate %get3A_3, %get3A_8 in 1 : vector<2000x128xf32>, vector<2000x128xf32> -> vector<2000x256xf32>
    %get3A_9 = arith.constant 0 : index
    %get3A_10 = arith.constant 0 : index
    %get3A_11 = vector.load %arg2[%get3A_9, %get3A_10] : memref<2000x1xf32, #tpu.memory_space<vmem>>, vector<2000x1xf32>
    %mul3A = vector.broadcast %get3A_11 : vector<2000x1xf32> to vector<2000x256xf32>
    %mul3A_12 = arith.mulf %concatenate3A, %mul3A : vector<2000x256xf32>
    %get3A_13 = arith.constant 0 : index
    %get3A_14 = arith.constant 0 : index
    %get3A_15 = vector.load %arg3[%get3A_13, %get3A_14] : memref<1x256xf32, #tpu.memory_space<vmem>>, vector<1x256xf32>
    %add3A = vector.broadcast %get3A_15 : vector<1x256xf32> to vector<2000x256xf32>
    %add3A_16 = arith.addf %mul3A_12, %add3A : vector<2000x256xf32>
    %ge3A = arith.constant 0.000000e+00 : f32
    %ge3A_17 = vector.broadcast %ge3A : f32 to vector<2000x256xf32>
    %ge3A_18 = arith.cmpf oge, %add3A_16, %ge3A_17 : vector<2000x256xf32>
    %mul3A_19 = arith.constant 0.00999999977 : f32
    %mul3A_20 = vector.broadcast %mul3A_19 : f32 to vector<2000x256xf32>
    %mul3A_21 = arith.mulf %mul3A_20, %add3A_16 : vector<2000x256xf32>
    %select_n3A = arith.select %ge3A_18, %add3A_16, %mul3A_21 : vector<2000x256xi1>, vector<2000x256xf32>
    %get3A_22 = arith.constant 0 : index
    %get3A_23 = arith.constant 0 : index
    %get3A_24 = vector.load %arg4[%get3A_22, %get3A_23] : memref<1x256xf32, #tpu.memory_space<vmem>>, vector<1x256xf32>
    %mul3A_25 = vector.broadcast %get3A_24 : vector<1x256xf32> to vector<2000x256xf32>
    %mul3A_26 = arith.mulf %select_n3A, %mul3A_25 : vector<2000x256xf32>
    %reduce_sum3A = arith.constant dense<0.000000e+00> : vector<2000xf32>
    %reduce_sum3A_27 = vector.multi_reduction <add>, %mul3A_26, %reduce_sum3A [1] : vector<2000x256xf32> to vector<2000xf32>
    %broadcast_in_dim3A = vector.shape_cast %reduce_sum3A_27 : vector<2000xf32> to vector<2000x1xf32>
    %get3A_28 = arith.constant 0 : index
    %get3A_29 = arith.constant 0 : index
    %get3A_30 = vector.load %arg5[%get3A_28, %get3A_29] : memref<1x1xf32, #tpu.memory_space<vmem>>, vector<1x1xf32>
    %add3A_31 = vector.broadcast %get3A_30 : vector<1x1xf32> to vector<2000x1xf32>
    %add3A_32 = arith.addf %broadcast_in_dim3A, %add3A_31 : vector<2000x1xf32>
    %neg3A = arith.constant 0.000000e+00 : f32
    %neg3A_33 = vector.broadcast %neg3A : f32 to vector<2000x1xf32>
    %neg3A_34 = arith.subf %neg3A_33, %add3A_32 : vector<2000x1xf32>
    %exp3A = math.exp %neg3A_34 : vector<2000x1xf32>
    %add3A_35 = arith.constant 1.000000e+00 : f32
    %add3A_36 = vector.broadcast %add3A_35 : f32 to vector<2000x1xf32>
    %add3A_37 = arith.addf %add3A_36, %exp3A : vector<2000x1xf32>
    %div3A = arith.constant 1.000000e+00 : f32
    %div3A_38 = vector.broadcast %div3A : f32 to vector<2000x1xf32>
    %div3A_39 = arith.divf %div3A_38, %add3A_37 : vector<2000x1xf32>
    %swap3A = arith.constant 0 : index
    %swap3A_40 = arith.constant 0 : index
    %swap3A_41 = vector.load %arg6[%swap3A, %swap3A_40] : memref<2000x1xf32, #tpu.memory_space<vmem>>, vector<2000x1xf32>
    tpu.vector_store %arg6[%swap3A, %swap3A_40], %div3A_39 {strides = array<i32>} : memref<2000x1xf32, #tpu.memory_space<vmem>>, vector<2000x1xf32>,
    return
  }
  func.func @transform_0(%arg0: i32) -> (i32, i32, i32) {
    %c0_i32 = arith.constant 0 : i32
    %c0_i32_0 = arith.constant 0 : i32
    %c0_i32_1 = arith.constant 0 : i32
    return %c0_i32, %arg0, %c0_i32_0 : i32, i32, i32
  }
  func.func @transform_1(%arg0: i32) -> (i32, i32) {
    %c0_i32 = arith.constant 0 : i32
    %c0_i32_0 = arith.constant 0 : i32
    return %arg0, %c0_i32 : i32, i32
  }
  func.func @transform_2(%arg0: i32) -> (i32, i32) {
    %c0_i32 = arith.constant 0 : i32
    %c0_i32_0 = arith.constant 0 : i32
    %c0_i32_1 = arith.constant 0 : i32
    return %c0_i32, %c0_i32_0 : i32, i32
  }
  func.func @transform_3(%arg0: i32) -> (i32, i32) {
    %c0_i32 = arith.constant 0 : i32
    %c0_i32_0 = arith.constant 0 : i32
    %c0_i32_1 = arith.constant 0 : i32
    return %c0_i32, %c0_i32_0 : i32, i32
  }
  func.func @transform_4(%arg0: i32) -> (i32, i32) {
    %c0_i32 = arith.constant 0 : i32
    %c0_i32_0 = arith.constant 0 : i32
    %c0_i32_1 = arith.constant 0 : i32
    return %c0_i32, %c0_i32_0 : i32, i32
  }
  func.func @transform_5(%arg0: i32) -> (i32, i32) {
    %c0_i32 = arith.constant 0 : i32
    %c0_i32_0 = arith.constant 0 : i32
    return %arg0, %c0_i32 : i32, i32
  }
}

</mosaic_0001>

<sc_bundles>
// kernel: kernel.11.cloned.1.call-start
scs
__scs_entry_jumppad:
0x0: {  	(pc) =	sbr.rel $0x88, $3  }
0x1: {  	(tag) =	ssettag $0x0;
	lr =	simm.s32 $0x1  }
0x2: {  	[smem:$0x3F99] =	sst lr;
	_ =	strace $0xD0000000  }
0x3: {  	_ = 	snop  }
0x4: {  	_ = 	snop  }
0x5: {  	_ = 	snop  }
0x6: {  	_ = 	snop  }
0x7: {  	_ = 	snop  }
__scs_overlays_trampoline_lowered:
0x8: {  	[smem:$0x3FA8] =	sst s0  }
0x9: {  	[smem:$0x3FA9] =	sst s1  }
0xa: {  	[smem:$0x3FAA] =	sst s2  }
0xb: {  	[smem:$0x3FAB] =	sst s3  }
0xc: {  	[smem:$0x3FAC] =	sst s4  }
0xd: {  	[smem:$0x3FAD] =	sst s5  }
0xe: {  	[smem:$0x3FAE] =	sst s6  }
0xf: {  	[smem:$0x3FAF] =	sst s7  }
0x10: {  	[smem:$0x3FB0] =	sst s8  }
0x11: {  	[smem:$0x3FB1] =	sst s9;
	s0 =	simm.s32 @!p0 $0x0  }
0x12: {  	s1 =	sld [smem:$0x3F97];
	s0 =	simm.s32 @p0 $0x1  }
0x13: {  	[smem:$0x3FB2] =	sst s0;
	s0 =	simm.s32 @!p1 $0x0  }
0x14: {  	s2 =	sld [smem:$0x3F96];
	s0 =	simm.s32 @p1 $0x1  }
0x15: {  	[smem:$0x3FB3] =	sst s0;
	s0 =	simm.s32 @!p2 $0x0  }
0x16: {  	s3 =	sld [smem:$0x3FDB];
	s0 =	simm.s32 @p2 $0x1  }
0x17: {  	s4 =	simm.s32 $0x1BF5;
	[smem:$0x3FB5] =	sst s0  }
0x18: {  	s0 =	sld [smem:$0x3F98];
	_ =	swait.ge [sflag:s4], $0x0  }
0x19: {  	s7 =	sld [smem:$0x3F99]  }
0x1a: {  	s8 =	sadd.s32 $0xFFFFE003, lr  }
0x1b: {  	s9 =	sadd.s32 $0xFFFFFEF7, lr;
	s5 =	simm.s32 $0xFFFFFFFF;
	p2 =	slt.u32 s8, $0xFFFFF086  }
0x1c: {  	p1 =	slt.u32 s9, $0xF7A;
	s5 =	simm.s32 @!p2 $0x0  }
0x1d: {  	s5 =	simm.s32 @p1 $0x1;
	p0 =	seq.s32 s7, s2  }
0x1e: {  	s7 =	smul.u32 @!p0 $0xF7A, s2;
	p2 =	seq.s32 @!p0 s5, $0x0  }
0x1f: {  	s9 =	smul.u32 $0xF7A, s1;
	s8 =	simm.s32 @!p0 $0x1BF5;
	p2 =	por !p2, p0  }
0x20: {  	[sflag:s8] =	ssyncset.s32 @!p0 $0xFFFFF086;
	s6 =	sadd.s32 @!p0 s3, s7;
	s7 =	simm.s32 @!p0 $0x108  }
0x21: {  	s3 =	sadd.s32 s3, s9;
	s6 =	sadd.s32 @!p0 $0x88, s6;
	s7 =	simm.s32 @p2 $0x1082  }
0x22: {  	[simem:s7], [sflag:s8] =	dma.local @!p0 [hbm:s6], $0xF7A  }
0x23: {  	s9 =	sor.u32 $0xD0000000, s2;
	s6 =	simm.s32 $0x108;
	_ =	swait.ge @!p0 [sflag:s8], $0x0  }
0x24: {  	s3 =	sadd.s32 $0x88, s3;
	s6 =	simm.s32 @!p1 $0x1082;
	[sflag:s4] =	ssyncset.s32 $0xFFFFF086  }
0x25: {  	[simem:s6], [sflag:s4] =	dma.local [hbm:s3], $0xF7A  }
0x26: {  	[smem:$0x3F99] =	sst s1;
	(tag) =	ssettag s2;
	_ =	strace s9  }
0x27: {  	s1 =	sld [smem:$0x3FA9]  }
0x28: {  	s2 =	sld [smem:$0x3FAA]  }
0x29: {  	s4 =	sld [smem:$0x3FAC]  }
0x2a: {  	p0 =	seq.s32 s5, $0x0;
	s5 =	sld [smem:$0x3FAD]  }
0x2b: {  	s6 =	sld [smem:$0x3FAE]  }
0x2c: {  	s7 =	sld [smem:$0x3FAF]  }
0x2d: {  	s3 =	simm.s32 $0x108;
	s8 =	sld [smem:$0x3FB0]  }
0x2e: {  	s3 =	simm.s32 @!p0 $0x1082;
	s9 =	sld [smem:$0x3FB1]  }
0x2f: {  	lr =	sadd.s32 s0, s3;
	s0 =	sld [smem:$0x3FA8]  }
0x30: {  	s3 =	sld [smem:$0x3FAB]  }
0x31: {  	[smem:$0x3FB4] =	sst s10  }
0x32: {  	s10 =	sld [smem:$0x3FB2];
	_ =	sdelay $0x3  }
0x33: {  	p0 =	seq.s32 s10, $0x1;
	s10 =	sld [smem:$0x3FB4];
	_ =	sdelay $0x3  }
0x34: {  	[smem:$0x3FB4] =	sst s10  }
0x35: {  	s10 =	sld [smem:$0x3FB3];
	_ =	sdelay $0x3  }
0x36: {  	p1 =	seq.s32 s10, $0x1;
	s10 =	sld [smem:$0x3FB4];
	_ =	sdelay $0x3  }
0x37: {  	[smem:$0x3FB4] =	sst s10  }
0x38: {  	s10 =	sld [smem:$0x3FB5]  }
0x39: {  	_ = 	snop;
	(pc) =	sbr.ind lr, $3  }
0x3a: {  	_ = 	snop  }
0x3b: {  	_ = 	snop  }
0x3c: {  	p2 =	seq.s32 s10, $0x1;
	s10 =	sld [smem:$0x3FB4]  }
0x3d: {  	_ =	shalt  }
0x3e: {  	_ =	shalt  }
0x3f: {  	_ =	shalt  }
0x40: {  	_ =	shalt  }
0x41: {  	_ =	shalt  }
0x42: {  	_ =	shalt  }
0x43: {  	_ =	shalt  }
0x44: {  	_ =	shalt  }
0x45: {  	_ =	shalt  }
0x46: {  	_ =	shalt  }
0x47: {  	_ =	shalt  }
0x48: {  	_ =	shalt  }
0x49: {  	_ =	shalt  }
0x4a: {  	_ =	shalt  }
0x4b: {  	_ =	shalt  }
0x4c: {  	_ =	shalt  }
0x4d: {  	_ =	shalt  }
0x4e: {  	_ =	shalt  }
0x4f: {  	_ =	shalt  }
0x50: {  	_ =	shalt  }
0x51: {  	_ =	shalt  }
0x52: {  	_ =	shalt  }
0x53: {  	_ =	shalt  }
0x54: {  	_ =	shalt  }
0x55: {  	_ =	shalt  }
0x56: {  	_ =	shalt  }
0x57: {  	_ =	shalt  }
0x58: {  	_ =	shalt  }
0x59: {  	_ =	shalt  }
0x5a: {  	_ =	shalt  }
0x5b: {  	_ =	shalt  }
0x5c: {  	_ =	shalt  }
0x5d: {  	_ =	shalt  }
0x5e: {  	_ =	shalt  }
0x5f: {  	_ =	shalt  }
0x60: {  	_ =	shalt  }
0x61: {  	_ =	shalt  }
0x62: {  	_ =	shalt  }
0x63: {  	_ =	shalt  }
0x64: {  	_ =	shalt  }
0x65: {  	_ =	shalt  }
0x66: {  	_ =	shalt  }
0x67: {  	_ =	shalt  }
0x68: {  	_ =	shalt  }
0x69: {  	_ =	shalt  }
0x6a: {  	_ =	shalt  }
0x6b: {  	_ =	shalt  }
0x6c: {  	_ =	shalt  }
0x6d: {  	_ =	shalt  }
0x6e: {  	_ =	shalt  }
0x6f: {  	_ =	shalt  }
0x70: {  	_ =	shalt  }
0x71: {  	_ =	shalt  }
0x72: {  	_ =	shalt  }
0x73: {  	_ =	shalt  }
0x74: {  	_ =	shalt  }
0x75: {  	_ =	shalt  }
0x76: {  	_ =	shalt  }
0x77: {  	_ =	shalt  }
0x78: {  	_ =	shalt  }
0x79: {  	_ =	shalt  }
0x7a: {  	_ =	shalt  }
0x7b: {  	_ =	shalt  }
0x7c: {  	_ =	shalt  }
0x7d: {  	_ =	shalt  }
0x7e: {  	_ =	shalt  }
0x7f: {  	_ =	shalt  }
0x80: {  	_ =	shalt  }
0x81: {  	_ =	shalt  }
0x82: {  	_ =	shalt  }
0x83: {  	_ =	shalt  }
0x84: {  	_ =	shalt  }
0x85: {  	_ =	shalt  }
0x86: {  	_ =	shalt  }
0x87: {  	_ =	shalt  }
.Lfunc_end0:
.L_simem_size_0:
called_computation.1_lowered:
.L_overlay_start_0:
0x88: {  	s2 =	sld [smem:$0x3FD9]  }
0x89: {  	s3 =	sld [smem:$0x3FFE];
	_ =	sdelay $0x1  }
0x8a: {  	s1 =	srdreg.scid  }
0x8b: {  	s0 =	sand.u32 $0x1, s1  }
0x8c: {  	s16 =	sshll.u32 s0, $0xA;
	s2 =	sadd.s32 s3, s2  }
0x8d: {  	s2 =	sadd.s32 s2, s16  }
0x8e: {  	[smem:$0x3FC0] =	sst s2  }
0x8f: {  	_ = 	snop  }
0x90: {  	(tm) =	ssettm $0x1  }
0x91: {  	s17 =	sld [smem:$0x3FFB];
	_ =	sdelay $0x3  }
0x92: {  	_ =	strace s17  }
0x93: {  	s2 =	sld [smem:$0x3FFC];
	_ =	sdelay $0x3  }
0x94: {  	_ =	strace s2  }
0x95: {  	s2 =	sld [smem:$0x3FFD];
	_ =	sdelay $0x3  }
0x96: {  	_ =	strace s2  }
0x97: {  	_ =	strace $0x8FFFFFFF  }
0x98: {  	s18 =	sld [smem:$0x3FDB];
	_ =	sdelay $0x1  }
0x99: {  	s19 =	simm.s32 $_scs_section_size  }
0x9a: {  	s4 =	simm.s32 $_size__tile_overlayer_lowered;
	s5 =	simm.s32 $_tile_overlayer_lowered  }
0x9b: {  	s22 =	simm.s32 $0x1BFF;
	s21 =	sshll.u32 s5, $0x1;
	s2 =	sadd.s32 s19, s18  }
0x9c: {  	s6 =	simm.s32 $0x0;
	s20 =	sshll.u32 s4, $0x1;
	s4 =	sadd.s32 s21, s2  }
0x9d: {  	[timem:s6], [sflag:s22] =	dma.local [hbm:s4], s20  }
0x9e: {  	_ =	swait.ge [sflag:s22], s20  }
0x9f: {  	s3 =	ssub.s32 $0x0, s20;
	[sflag:s22] =	ssyncset.done $0x0  }
0xa0: {  	[sflag:s22] =	ssyncadd.s32 s3;
	_ =	sdelay $0x1  }
0xa1: {  	s23 =	simm.s32 $0x1B8B  }
0xa2: {  	_ =	swait.ge [sflag:s23], $0x1  }
0xa3: {  	[sflag:s23] =	ssyncset.done $0x0  }
0xa4: {  	s25 =	simm.s32 $0x1B8E;
	s24 =	sld [smem:$0x3FFE];
	[sflag:s23] =	ssyncadd.s32 $0xFFFFFFFF  }
0xa5: {  	s26 =	simm.s32 $execute0_lowered;
	[smem:$0x3FD2] =	sst s25  }
0xa6: {  	s4 =	sshll.u32 s26, $0x1;
	_ =	strace $0x80000049;
	[dreg:$0x1] =	wrdreg $0xFFFFFFFF  }
0xa7: {  	s28 =	simm.s32 $_size_execute0_lowered;
	s2 =	sadd.s32 s2, s4;
	[dreg:$0x0] =	wrdreg $0x0  }
0xa8: {  	s4 =	sshll.u32 s28, $0x1;
	[dreg:$0x2] =	wrdreg s2  }
0xa9: {  	[dreg:$0x3] =	wrdreg s4  }
0xaa: {  	[dreg:$0x4] =	wrdreg $0xC0  }
0xab: {  	_ =	task [dreg:s6], $0x5FFFF  }
0xac: {  	[dreg:$0x1] =	wrdreg $0xFFFFFFFF  }
0xad: {  	[dreg:$0x0] =	wrdreg $0x60  }
0xae: {  	[dreg:$0x2] =	wrdreg s24  }
0xaf: {  	[dreg:$0x3] =	wrdreg $0x0  }
0xb0: {  	[dreg:$0x4] =	wrdreg $0x9  }
0xb1: {  	_ =	task.clear_ibuf [dreg:s6], $0x5FFFF;
	_ =	strace $0x90000049  }
0xb2: {  	s29 =	simm.s32 $0x9;
	_ =	strace $0x8000004B  }
0xb3: {  	_ =	swait.ge [sflag:s29], $0x1  }
0xb4: {  	[sflag:s29] =	ssyncadd.s32 $0xFFFFFFFF  }
0xb5: {  	_ =	strace $0x9000004B  }
0xb6: {  	_ =	sfence  }
0xb7: {  	s30 =	sld [smem:$0x0];
	_ =	sdelay $0x2  }
0xb8: {  	s31 =	sshll.u32 s1, $0xD;
	s1 =	sshrl.u32 s1, $0x2  }
0xb9: {  	s3 =	sand.u32 $0x4000, s31;
	s1 =	sadd.s32 s1, s30  }
0xba: {  	s0 =	sor.u32 s3, s0;
	s1 =	sshll.u32 s1, $0x11  }
0xbb: {  	s0 =	sor.u32 s1, s0  }
0xbc: {  	s0 =	sadd.s32 $0x8F2B, s0  }
0xbd: {  	[sflag:s0] =	ssyncadd.remote.s32 $0x1  }
0xbe: {  	_ =	sfence.sel $0xFFFF  }
0xbf: {  	[dreg:$0x0] =	wrdreg $0xFFFFFFFF;
	(pc) =	sbr.abs _section_cstart, $3  }
0xc0: {  	[dreg:$0x1] =	wrdreg $0xFFFFFFFF  }
0xc1: {  	_ =	task.clear_ibuf [dreg:s6], $0x2FFFF;
	_ =	strace $0x9FFFFFFF  }
0xc2: {  	(tm) =	ssettm $0x7FFFFFFF  }
0xc3: {  	_ =	shalt  }
tec
execute0_lowered:
.L_overlay_start_1:
0x0: {  	(tag) =	ssettag $0x1  }
0x1: {  	s6 =	rddreg [dreg:$0x0]  }
0x2: {  	s0 =	srdreg.scid;
	s2 =	rddreg [dreg:$0x1];
	s3 =	simm.s32 $0x0  }
0x3: {  	s16 =	simm.s32 $0x2;
	s5 =	sand.u32 $0x1, s0;
	s0 =	stileid.u32  }
0x4: {  	s17 =	simm.s32 $0x16800;
	s18 =	simm.s32 $0x80;
	s8 =	smul.u32 $0x500, s0  }
0x5: {  	s19 =	simm.s32 $0x19000;
	s20 =	simm.s32 $0x1;
	s9 =	smul.u32 $0x4F000, s0  }
0x6: {  	s21 =	simm.s32 $0x0;
	[smem:$0x7FF] =	sst s3;
	s10 =	smul.u32 $0x27100, s5  }
0x7: {  	s4 =	sadd.s32 $0x11800, s6;
	s14 =	sadd.s32 $0x5FA00, s6;
	s12 =	smul.u32 $0x2780, s0  }
0x8: {  	s1 =	sshll.u32 s5, $0x4;
	s11 =	ssub.s32 $0x2, s5;
	s5 =	smul.u32 $0x138800, s5  }
0x9: {  	p0 =	seq.s32 s0, $0xF;
	s1 =	sor.u32 s0, s1;
	s13 =	sshrl.u32 s11, $0x1  }
0xa: {  	s7 =	smul.u32 $0x500, s1;
	s1 =	rddreg [dreg:$0x2];
	_ =	strace $0x8000004A  }
0xb: {  	s8 =	sadd.s32 s8, s6;
	s11 =	ssub.s32 s11, s13;
	s28 =	sshrl.u32 s9, $0x2  }
0xc: {  	s29 =	sadd.s32 s12, s10;
	s30 =	sshrl.u32 s5, $0x3;
	s12 =	sadd.s32 $0x128400, s2  }
0xd: {  	s13 =	sshll.u32 @!p0 s0, $0x6;
	s15 =	sadd.s32 s28, s2;
	s5 =	sadd.s32 s4, s29  }
0xe: {  	s31 =	sadd.s32 $0x25080, s30;
	s8 =	sadd.s32 $0x1800, s8;
	s9 =	sadd.s32 s14, s29  }
0xf: {  	s11 =	smax.u32 s11, $0x1;
	s12 =	sshrl.u32 @p0 s12, $0x3;
	s13 =	sor.u32 @!p0 $0x1C02, s13  }
0x10: {  	s7 =	sadd.s32 s7, s6;
	s6 =	sadd.s32 s4, s31;
	s10 =	sadd.s32 s14, s31  }
0x11: {  	s14 =	sshrl.u32 @!p0 s15, $0x3;
	s15 =	simm.s32 $0x14000;
	s7 =	sadd.s32 $0x7800, s7  }
.LBB2_1:
0x12: {  	s22 =	simm.s32 @p0 $0x1FC2  }
0x13: {  	[spmem:s12], [sflag:s22] =	dma.local @p0 [hbm:s6], $0x2080  }
0x14: {  	s22 =	simm.s32 @p0 $0x2  }
0x15: {  	_ =	swait.ge @p0 [sflag:s22], $0x2080  }
0x16: {  	[sflag:s22] =	ssyncset.done @p0 $0x0  }
0x17: {  	[sflag:s22] =	ssyncadd.s32 @p0 $0xFFFFDF80;
	s22 =	simm.s32 @!p0 $0x2  }
0x18: {  	[spmem:s14], [sflag:s13] =	dma.local @!p0 [hbm:s5], $0x2780  }
0x19: {  	_ =	swait.ge @!p0 [sflag:s22], $0x2780  }
0x1a: {  	[sflag:s22] =	ssyncset.done @!p0 $0x0  }
0x1b: {  	[sflag:s22] =	ssyncadd.s32 @!p0 $0xFFFFD880  }
0x1c: {  	[tilespmem:s15], [sflag:$0x2] =	stream.linear.gather [hbm4b:s7+s3], $0x2780, $0x38;
	[tilespmem:$0x1D000] =	vst v63  }
0x1d: {  	_ =	swait.ge [sflag:s16], $0x2780  }
0x1e: {  	[sflag:s16] =	ssyncset.done $0x0  }
0x1f: {  	[sflag:s16] =	ssyncadd.s32 $0xFFFFD880  }
0x20: {  	[tilespmem:s17], [sflag:$0x2] =	stream.linear.gather [hbm4b:s8+s3], $0x2780, $0x38;
	[tilespmem:$0x1D000] =	vst v63  }
0x21: {  	_ =	swait.ge [sflag:s16], $0x2780  }
0x22: {  	[sflag:s16] =	ssyncset.done $0x0  }
0x23: {  	[sflag:s16] =	ssyncadd.s32 $0xFFFFD880  }
0x24: {  	s30 =	simm.s32 $0x14000;
	[bflag:$0x0] =	sbarrier.arrive $0xFFFF  }
0x25: {  	[tilespmem:s19], [sflag:$0x1] =	stream.indirect.gather [hbm4b:s4+s18], $0x80, s30, s18, $0xb8;
	[tilespmem:$0x1D000] =	vst v63  }
0x26: {  	_ =	swait.ge [sflag:s20], $0x4000  }
0x27: {  	[sflag:s20] =	ssyncset.done $0x0  }
0x28: {  	s31 =	simm.s32 $0x16800;
	[sflag:s20] =	ssyncadd.s32 $0xFFFFC000  }
0x29: {  	[spmem:s2] =	stream.indirect.scatter.add.f32 [tilespmem:s19], [sflag:$0x2], $0x80, s31, s18, $0xb8;
	[tilespmem:$0x1D000] =	vst v63  }
0x2a: {  	_ =	swait.ge [sflag:s16], $0x4000  }
0x2b: {  	s23 =	simm.s32 $0x400;
	s22 =	simm.s32 $0x80;
	[sflag:s16] =	ssyncset.done $0x0  }
.LBB2_2:
0x2c: {  	s24 =	sadd.s32 $0x14000, s22  }
0x2d: {  	[sflag:s16] =	ssyncadd.s32 $0xFFFFC000;
	s25 =	smov.u32 s23;
	s26 =	sadd.s32 $0x200, s23  }
0x2e: {  	[tilespmem:s19], [sflag:$0x1] =	stream.indirect.gather [hbm4b:s4+s18], $0x80, s24, s18, $0xb8;
	[tilespmem:$0x1D000] =	vst v63  }
0x2f: {  	p1 =	sne.s32 s23, $0x9C00;
	_ =	swait.ge [sflag:s20], $0x4000  }
.Ltmp0:
0x30: {  	[sflag:s20] =	ssyncset.done $0x0;
	(pc) =	sbr.rel @p1 .LBB2_2-.Ltmp0, $4  }
0x31: {  	s22 =	sadd.s32 $0x16800, s22;
	[sflag:s20] =	ssyncadd.s32 $0xFFFFC000  }
0x32: {  	[spmem:s2] =	stream.indirect.scatter.add.f32 [tilespmem:s19], [sflag:$0x2], $0x80, s22, s18, $0xb8;
	[tilespmem:$0x1D000] =	vst v63  }
0x33: {  	_ =	swait.ge [sflag:s16], $0x4000  }
0x34: {  	s23 =	smov.u32 s26;
	s22 =	sshra.s32 s25, $0x2;
	[sflag:s16] =	ssyncset.done $0x0  }
0x35: {  	s23 =	sadd.s32 $0x14000, s22;
	[sflag:s16] =	ssyncadd.s32 $0xFFFFC000  }
0x36: {  	[tilespmem:s19], [sflag:$0x1] =	stream.indirect.gather [hbm4b:s4+s18], $0x80, s23, s18, $0xb8;
	[tilespmem:$0x1D000] =	vst v63  }
0x37: {  	_ =	swait.ge [sflag:s20], $0x4000  }
0x38: {  	[sflag:s20] =	ssyncset.done $0x0  }
0x39: {  	s31 =	sadd.s32 $0x16800, s22;
	[sflag:s20] =	ssyncadd.s32 $0xFFFFC000  }
0x3a: {  	[spmem:s2] =	stream.indirect.scatter.add.f32 [tilespmem:s19], [sflag:$0x2], $0x80, s31, s18, $0xb8;
	[tilespmem:$0x1D000] =	vst v63  }
0x3b: {  	_ =	swait.ge [sflag:s16], $0x4000  }
0x3c: {  	[sflag:s16] =	ssyncset.done $0x0  }
0x3d: {  	[sflag:s16] =	ssyncadd.s32 $0xFFFFC000  }
0x3e: {  	s22 =	simm.s32 @p0 $0x1FC2;
	[bflag:$0x0] =	sbarrier.arrive $0xFFFF  }
0x3f: {  	[hbm:s10], [sflag:s22] =	dma.local @p0 [spmem:s12], $0x2080  }
0x40: {  	s22 =	simm.s32 @p0 $0x2  }
0x41: {  	s21 =	sadd.s32 $0x1, s21;
	_ =	swait.ge @p0 [sflag:s22], $0x2080  }
0x42: {  	p1 =	sne.s32 s21, s11;
	[sflag:s22] =	ssyncset.done @p0 $0x0  }
.Ltmp1:
0x43: {  	[sflag:s22] =	ssyncadd.s32 @p0 $0xFFFFDF80;
	s22 =	simm.s32 @!p0 $0x2;
	(pc) =	sbr.rel @p1 .LBB2_1-.Ltmp1, $4  }
0x44: {  	[hbm:s9], [sflag:s13] =	dma.local @!p0 [spmem:s14], $0x2780  }
0x45: {  	_ =	swait.ge @!p0 [sflag:s22], $0x2780  }
0x46: {  	[sflag:s22] =	ssyncset.done @!p0 $0x0  }
0x47: {  	[sflag:s22] =	ssyncadd.s32 @!p0 $0xFFFFD880  }
0x48: {  	_ =	sfence.sel $0x180000  }
0x49: {  	[bflag:$0x0] =	sbarrier.arrive $0xFFFF  }
0x4a: {  	p0 =	sne.s32 s0, $0x0;
	_ =	strace $0x9000004A  }
0x4b: {  	s0 =	sadd.s32 @!p0 $0x100000, s1;
	[bflag:$0x2] =	sbarrier.arrive $0xFFFF  }
0x4c: {  	[sflag:s0] =	ssyncadd.tile.s32 @!p0 $0x1;
	_ =	shalt  }
.Lfunc_end2:
_tile_overlayer_lowered:
.L_overlay_start_2:
0x4d: {  	(tag) =	ssettag $0x2  }
0x4e: {  	s0 =	rddreg [dreg:$0x0];
	s2 =	stileid.u32  }
0x4f: {  	s1 =	rddreg [dreg:$0x1];
	p0 =	sne.s32 s2, $0x0  }
0x50: {  	s3 =	rddreg [dreg:$0x2];
	[bflag:$0x3] =	sbarrier.arrive $0xFFFF;
	s2 =	simm.s32 @!p0 $0x1C02  }
0x51: {  	[timem:s3], [sflag:s2] =	dma.local @!p0 [hbm:s0], s1  }
0x52: {  	s0 =	simm.s32 @!p0 $0x2  }
0x53: {  	_ =	swait.ge @!p0 [sflag:s0], s1  }
0x54: {  	s1 =	ssub.s32 @!p0 $0x0, s1;
	[sflag:s0] =	ssyncset.done @!p0 $0x0  }
0x55: {  	[sflag:s0] =	ssyncadd.s32 @!p0 s1  }
0x56: {  	[bflag:$0x3] =	sbarrier.arrive $0xFFFF  }
0x57: {  	_ =	shalt  }

// kernel: kernel.14.cloned.1.call-start
scs
__scs_entry_jumppad:
0x0: {  	(pc) =	sbr.rel $0x88, $3  }
0x1: {  	(tag) =	ssettag $0x0;
	lr =	simm.s32 $0x1  }
0x2: {  	[smem:$0x3F99] =	sst lr;
	_ =	strace $0xD0000000  }
0x3: {  	_ = 	snop  }
0x4: {  	_ = 	snop  }
0x5: {  	_ = 	snop  }
0x6: {  	_ = 	snop  }
0x7: {  	_ = 	snop  }
__scs_overlays_trampoline_lowered:
0x8: {  	[smem:$0x3FA8] =	sst s0  }
0x9: {  	[smem:$0x3FA9] =	sst s1  }
0xa: {  	[smem:$0x3FAA] =	sst s2  }
0xb: {  	[smem:$0x3FAB] =	sst s3  }
0xc: {  	[smem:$0x3FAC] =	sst s4  }
0xd: {  	[smem:$0x3FAD] =	sst s5  }
0xe: {  	[smem:$0x3FAE] =	sst s6  }
0xf: {  	[smem:$0x3FAF] =	sst s7  }
0x10: {  	[smem:$0x3FB0] =	sst s8  }
0x11: {  	[smem:$0x3FB1] =	sst s9;
	s0 =	simm.s32 @!p0 $0x0  }
0x12: {  	s1 =	sld [smem:$0x3F97];
	s0 =	simm.s32 @p0 $0x1  }
0x13: {  	[smem:$0x3FB2] =	sst s0;
	s0 =	simm.s32 @!p1 $0x0  }
0x14: {  	s2 =	sld [smem:$0x3F96];
	s0 =	simm.s32 @p1 $0x1  }
0x15: {  	[smem:$0x3FB3] =	sst s0;
	s0 =	simm.s32 @!p2 $0x0  }
0x16: {  	s3 =	sld [smem:$0x3FDB];
	s0 =	simm.s32 @p2 $0x1  }
0x17: {  	s4 =	simm.s32 $0x1BF5;
	[smem:$0x3FB5] =	sst s0  }
0x18: {  	s0 =	sld [smem:$0x3F98];
	_ =	swait.ge [sflag:s4], $0x0  }
0x19: {  	s7 =	sld [smem:$0x3F99]  }
0x1a: {  	s8 =	sadd.s32 $0xFFFFE003, lr  }
0x1b: {  	s9 =	sadd.s32 $0xFFFFFEF7, lr;
	s5 =	simm.s32 $0xFFFFFFFF;
	p2 =	slt.u32 s8, $0xFFFFF086  }
0x1c: {  	p1 =	slt.u32 s9, $0xF7A;
	s5 =	simm.s32 @!p2 $0x0  }
0x1d: {  	s5 =	simm.s32 @p1 $0x1;
	p0 =	seq.s32 s7, s2  }
0x1e: {  	s7 =	smul.u32 @!p0 $0xF7A, s2;
	p2 =	seq.s32 @!p0 s5, $0x0  }
0x1f: {  	s9 =	smul.u32 $0xF7A, s1;
	s8 =	simm.s32 @!p0 $0x1BF5;
	p2 =	por !p2, p0  }
0x20: {  	[sflag:s8] =	ssyncset.s32 @!p0 $0xFFFFF086;
	s6 =	sadd.s32 @!p0 s3, s7;
	s7 =	simm.s32 @!p0 $0x108  }
0x21: {  	s3 =	sadd.s32 s3, s9;
	s6 =	sadd.s32 @!p0 $0x88, s6;
	s7 =	simm.s32 @p2 $0x1082  }
0x22: {  	[simem:s7], [sflag:s8] =	dma.local @!p0 [hbm:s6], $0xF7A  }
0x23: {  	s9 =	sor.u32 $0xD0000000, s2;
	s6 =	simm.s32 $0x108;
	_ =	swait.ge @!p0 [sflag:s8], $0x0  }
0x24: {  	s3 =	sadd.s32 $0x88, s3;
	s6 =	simm.s32 @!p1 $0x1082;
	[sflag:s4] =	ssyncset.s32 $0xFFFFF086  }
0x25: {  	[simem:s6], [sflag:s4] =	dma.local [hbm:s3], $0xF7A  }
0x26: {  	[smem:$0x3F99] =	sst s1;
	(tag) =	ssettag s2;
	_ =	strace s9  }
0x27: {  	s1 =	sld [smem:$0x3FA9]  }
0x28: {  	s2 =	sld [smem:$0x3FAA]  }
0x29: {  	s4 =	sld [smem:$0x3FAC]  }
0x2a: {  	p0 =	seq.s32 s5, $0x0;
	s5 =	sld [smem:$0x3FAD]  }
0x2b: {  	s6 =	sld [smem:$0x3FAE]  }
0x2c: {  	s7 =	sld [smem:$0x3FAF]  }
0x2d: {  	s3 =	simm.s32 $0x108;
	s8 =	sld [smem:$0x3FB0]  }
0x2e: {  	s3 =	simm.s32 @!p0 $0x1082;
	s9 =	sld [smem:$0x3FB1]  }
0x2f: {  	lr =	sadd.s32 s0, s3;
	s0 =	sld [smem:$0x3FA8]  }
0x30: {  	s3 =	sld [smem:$0x3FAB]  }
0x31: {  	[smem:$0x3FB4] =	sst s10  }
0x32: {  	s10 =	sld [smem:$0x3FB2];
	_ =	sdelay $0x3  }
0x33: {  	p0 =	seq.s32 s10, $0x1;
	s10 =	sld [smem:$0x3FB4];
	_ =	sdelay $0x3  }
0x34: {  	[smem:$0x3FB4] =	sst s10  }
0x35: {  	s10 =	sld [smem:$0x3FB3];
	_ =	sdelay $0x3  }
0x36: {  	p1 =	seq.s32 s10, $0x1;
	s10 =	sld [smem:$0x3FB4];
	_ =	sdelay $0x3  }
0x37: {  	[smem:$0x3FB4] =	sst s10  }
0x38: {  	s10 =	sld [smem:$0x3FB5]  }
0x39: {  	_ = 	snop;
	(pc) =	sbr.ind lr, $3  }
0x3a: {  	_ = 	snop  }
0x3b: {  	_ = 	snop  }
0x3c: {  	p2 =	seq.s32 s10, $0x1;
	s10 =	sld [smem:$0x3FB4]  }
0x3d: {  	_ =	shalt  }
0x3e: {  	_ =	shalt  }
0x3f: {  	_ =	shalt  }
0x40: {  	_ =	shalt  }
0x41: {  	_ =	shalt  }
0x42: {  	_ =	shalt  }
0x43: {  	_ =	shalt  }
0x44: {  	_ =	shalt  }
0x45: {  	_ =	shalt  }
0x46: {  	_ =	shalt  }
0x47: {  	_ =	shalt  }
0x48: {  	_ =	shalt  }
0x49: {  	_ =	shalt  }
0x4a: {  	_ =	shalt  }
0x4b: {  	_ =	shalt  }
0x4c: {  	_ =	shalt  }
0x4d: {  	_ =	shalt  }
0x4e: {  	_ =	shalt  }
0x4f: {  	_ =	shalt  }
0x50: {  	_ =	shalt  }
0x51: {  	_ =	shalt  }
0x52: {  	_ =	shalt  }
0x53: {  	_ =	shalt  }
0x54: {  	_ =	shalt  }
0x55: {  	_ =	shalt  }
0x56: {  	_ =	shalt  }
0x57: {  	_ =	shalt  }
0x58: {  	_ =	shalt  }
0x59: {  	_ =	shalt  }
0x5a: {  	_ =	shalt  }
0x5b: {  	_ =	shalt  }
0x5c: {  	_ =	shalt  }
0x5d: {  	_ =	shalt  }
0x5e: {  	_ =	shalt  }
0x5f: {  	_ =	shalt  }
0x60: {  	_ =	shalt  }
0x61: {  	_ =	shalt  }
0x62: {  	_ =	shalt  }
0x63: {  	_ =	shalt  }
0x64: {  	_ =	shalt  }
0x65: {  	_ =	shalt  }
0x66: {  	_ =	shalt  }
0x67: {  	_ =	shalt  }
0x68: {  	_ =	shalt  }
0x69: {  	_ =	shalt  }
0x6a: {  	_ =	shalt  }
0x6b: {  	_ =	shalt  }
0x6c: {  	_ =	shalt  }
0x6d: {  	_ =	shalt  }
0x6e: {  	_ =	shalt  }
0x6f: {  	_ =	shalt  }
0x70: {  	_ =	shalt  }
0x71: {  	_ =	shalt  }
0x72: {  	_ =	shalt  }
0x73: {  	_ =	shalt  }
0x74: {  	_ =	shalt  }
0x75: {  	_ =	shalt  }
0x76: {  	_ =	shalt  }
0x77: {  	_ =	shalt  }
0x78: {  	_ =	shalt  }
0x79: {  	_ =	shalt  }
0x7a: {  	_ =	shalt  }
0x7b: {  	_ =	shalt  }
0x7c: {  	_ =	shalt  }
0x7d: {  	_ =	shalt  }
0x7e: {  	_ =	shalt  }
0x7f: {  	_ =	shalt  }
0x80: {  	_ =	shalt  }
0x81: {  	_ =	shalt  }
0x82: {  	_ =	shalt  }
0x83: {  	_ =	shalt  }
0x84: {  	_ =	shalt  }
0x85: {  	_ =	shalt  }
0x86: {  	_ =	shalt  }
0x87: {  	_ =	shalt  }
.Lfunc_end0:
.L_simem_size_0:
called_computation.2_lowered:
.L_overlay_start_0:
0x88: {  	s2 =	sld [smem:$0x3FD9]  }
0x89: {  	s3 =	sld [smem:$0x3FFE];
	_ =	sdelay $0x1  }
0x8a: {  	s1 =	srdreg.scid  }
0x8b: {  	s0 =	sand.u32 $0x1, s1  }
0x8c: {  	s16 =	sshll.u32 s0, $0xA;
	s2 =	sadd.s32 s3, s2  }
0x8d: {  	s2 =	sadd.s32 s2, s16  }
0x8e: {  	[smem:$0x3FC0] =	sst s2  }
0x8f: {  	_ = 	snop  }
0x90: {  	(tm) =	ssettm $0x1  }
0x91: {  	s17 =	sld [smem:$0x3FFB];
	_ =	sdelay $0x3  }
0x92: {  	_ =	strace s17  }
0x93: {  	s2 =	sld [smem:$0x3FFC];
	_ =	sdelay $0x3  }
0x94: {  	_ =	strace s2  }
0x95: {  	s2 =	sld [smem:$0x3FFD];
	_ =	sdelay $0x3  }
0x96: {  	_ =	strace s2  }
0x97: {  	_ =	strace $0x8FFFFFFF  }
0x98: {  	s18 =	sld [smem:$0x3FDB];
	_ =	sdelay $0x1  }
0x99: {  	s19 =	simm.s32 $_scs_section_size  }
0x9a: {  	s4 =	simm.s32 $_size__tile_overlayer_lowered;
	s5 =	simm.s32 $_tile_overlayer_lowered  }
0x9b: {  	s22 =	simm.s32 $0x1BFF;
	s21 =	sshll.u32 s5, $0x1;
	s2 =	sadd.s32 s19, s18  }
0x9c: {  	s6 =	simm.s32 $0x0;
	s20 =	sshll.u32 s4, $0x1;
	s4 =	sadd.s32 s21, s2  }
0x9d: {  	[timem:s6], [sflag:s22] =	dma.local [hbm:s4], s20  }
0x9e: {  	_ =	swait.ge [sflag:s22], s20  }
0x9f: {  	s3 =	ssub.s32 $0x0, s20;
	[sflag:s22] =	ssyncset.done $0x0  }
0xa0: {  	[sflag:s22] =	ssyncadd.s32 s3;
	_ =	sdelay $0x1  }
0xa1: {  	s23 =	simm.s32 $0x1B8B  }
0xa2: {  	_ =	swait.ge [sflag:s23], $0x1  }
0xa3: {  	[sflag:s23] =	ssyncset.done $0x0  }
0xa4: {  	s25 =	simm.s32 $0x1B8E;
	s24 =	sld [smem:$0x3FFE];
	[sflag:s23] =	ssyncadd.s32 $0xFFFFFFFF  }
0xa5: {  	s26 =	simm.s32 $execute0_lowered;
	[smem:$0x3FD2] =	sst s25  }
0xa6: {  	s4 =	sshll.u32 s26, $0x1;
	_ =	strace $0x8000004C;
	[dreg:$0x1] =	wrdreg $0xFFFFFFFF  }
0xa7: {  	s28 =	simm.s32 $_size_execute0_lowered;
	s2 =	sadd.s32 s2, s4;
	[dreg:$0x0] =	wrdreg $0x0  }
0xa8: {  	s4 =	sshll.u32 s28, $0x1;
	[dreg:$0x2] =	wrdreg s2  }
0xa9: {  	[dreg:$0x3] =	wrdreg s4  }
0xaa: {  	[dreg:$0x4] =	wrdreg $0xC0  }
0xab: {  	_ =	task [dreg:s6], $0x5FFFF  }
0xac: {  	[dreg:$0x1] =	wrdreg $0xFFFFFFFF  }
0xad: {  	[dreg:$0x0] =	wrdreg $0x60  }
0xae: {  	[dreg:$0x2] =	wrdreg s24  }
0xaf: {  	[dreg:$0x3] =	wrdreg $0x0  }
0xb0: {  	[dreg:$0x4] =	wrdreg $0x9  }
0xb1: {  	_ =	task.clear_ibuf [dreg:s6], $0x5FFFF;
	_ =	strace $0x9000004C  }
0xb2: {  	s29 =	simm.s32 $0x9;
	_ =	strace $0x8000004E  }
0xb3: {  	_ =	swait.ge [sflag:s29], $0x1  }
0xb4: {  	[sflag:s29] =	ssyncadd.s32 $0xFFFFFFFF  }
0xb5: {  	_ =	strace $0x9000004E  }
0xb6: {  	_ =	sfence  }
0xb7: {  	s30 =	sld [smem:$0x0];
	_ =	sdelay $0x2  }
0xb8: {  	s31 =	sshll.u32 s1, $0xD;
	s1 =	sshrl.u32 s1, $0x2  }
0xb9: {  	s3 =	sand.u32 $0x4000, s31;
	s1 =	sadd.s32 s1, s30  }
0xba: {  	s0 =	sor.u32 s3, s0;
	s1 =	sshll.u32 s1, $0x11  }
0xbb: {  	s0 =	sor.u32 s1, s0  }
0xbc: {  	s0 =	sadd.s32 $0x8F2B, s0  }
0xbd: {  	[sflag:s0] =	ssyncadd.remote.s32 $0x1  }
0xbe: {  	_ =	sfence.sel $0xFFFF  }
0xbf: {  	[dreg:$0x0] =	wrdreg $0xFFFFFFFF;
	(pc) =	sbr.abs _section_cstart, $3  }
0xc0: {  	[dreg:$0x1] =	wrdreg $0xFFFFFFFF  }
0xc1: {  	_ =	task.clear_ibuf [dreg:s6], $0x2FFFF;
	_ =	strace $0x9FFFFFFF  }
0xc2: {  	(tm) =	ssettm $0x7FFFFFFF  }
0xc3: {  	_ =	shalt  }
tec
execute0_lowered:
.L_overlay_start_1:
0x0: {  	(tag) =	ssettag $0x1  }
0x1: {  	s6 =	rddreg [dreg:$0x0]  }
0x2: {  	s0 =	srdreg.scid;
	s2 =	rddreg [dreg:$0x1];
	s3 =	simm.s32 $0x0  }
0x3: {  	s16 =	simm.s32 $0x2;
	s5 =	sand.u32 $0x1, s0;
	s0 =	stileid.u32  }
0x4: {  	s17 =	simm.s32 $0x16800;
	s18 =	simm.s32 $0x80;
	s8 =	smul.u32 $0x500, s0  }
0x5: {  	s19 =	simm.s32 $0x19000;
	s20 =	simm.s32 $0x1;
	s9 =	smul.u32 $0x4F000, s0  }
0x6: {  	s21 =	simm.s32 $0x0;
	[smem:$0x7FF] =	sst s3;
	s10 =	smul.u32 $0x27100, s5  }
0x7: {  	s4 =	sadd.s32 $0x11800, s6;
	s14 =	sadd.s32 $0x5FA00, s6;
	s12 =	smul.u32 $0x2780, s0  }
0x8: {  	s1 =	sshll.u32 s5, $0x4;
	s11 =	ssub.s32 $0x2, s5;
	s5 =	smul.u32 $0x138800, s5  }
0x9: {  	p0 =	seq.s32 s0, $0xF;
	s1 =	sor.u32 s0, s1;
	s13 =	sshrl.u32 s11, $0x1  }
0xa: {  	s7 =	smul.u32 $0x500, s1;
	s1 =	rddreg [dreg:$0x2];
	_ =	strace $0x8000004D  }
0xb: {  	s8 =	sadd.s32 s8, s6;
	s11 =	ssub.s32 s11, s13;
	s28 =	sshrl.u32 s9, $0x2  }
0xc: {  	s29 =	sadd.s32 s12, s10;
	s30 =	sshrl.u32 s5, $0x3;
	s12 =	sadd.s32 $0x128400, s2  }
0xd: {  	s13 =	sshll.u32 @!p0 s0, $0x6;
	s15 =	sadd.s32 s28, s2;
	s5 =	sadd.s32 s4, s29  }
0xe: {  	s31 =	sadd.s32 $0x25080, s30;
	s8 =	sadd.s32 $0x1800, s8;
	s9 =	sadd.s32 s14, s29  }
0xf: {  	s11 =	smax.u32 s11, $0x1;
	s12 =	sshrl.u32 @p0 s12, $0x3;
	s13 =	sor.u32 @!p0 $0x1C02, s13  }
0x10: {  	s7 =	sadd.s32 s7, s6;
	s6 =	sadd.s32 s4, s31;
	s10 =	sadd.s32 s14, s31  }
0x11: {  	s14 =	sshrl.u32 @!p0 s15, $0x3;
	s15 =	simm.s32 $0x14000;
	s7 =	sadd.s32 $0x7800, s7  }
.LBB2_1:
0x12: {  	s22 =	simm.s32 @p0 $0x1FC2  }
0x13: {  	[spmem:s12], [sflag:s22] =	dma.local @p0 [hbm:s6], $0x2080  }
0x14: {  	s22 =	simm.s32 @p0 $0x2  }
0x15: {  	_ =	swait.ge @p0 [sflag:s22], $0x2080  }
0x16: {  	[sflag:s22] =	ssyncset.done @p0 $0x0  }
0x17: {  	[sflag:s22] =	ssyncadd.s32 @p0 $0xFFFFDF80;
	s22 =	simm.s32 @!p0 $0x2  }
0x18: {  	[spmem:s14], [sflag:s13] =	dma.local @!p0 [hbm:s5], $0x2780  }
0x19: {  	_ =	swait.ge @!p0 [sflag:s22], $0x2780  }
0x1a: {  	[sflag:s22] =	ssyncset.done @!p0 $0x0  }
0x1b: {  	[sflag:s22] =	ssyncadd.s32 @!p0 $0xFFFFD880  }
0x1c: {  	[tilespmem:s15], [sflag:$0x2] =	stream.linear.gather [hbm4b:s7+s3], $0x2780, $0x38;
	[tilespmem:$0x1D000] =	vst v63  }
0x1d: {  	_ =	swait.ge [sflag:s16], $0x2780  }
0x1e: {  	[sflag:s16] =	ssyncset.done $0x0  }
0x1f: {  	[sflag:s16] =	ssyncadd.s32 $0xFFFFD880  }
0x20: {  	[tilespmem:s17], [sflag:$0x2] =	stream.linear.gather [hbm4b:s8+s3], $0x2780, $0x38;
	[tilespmem:$0x1D000] =	vst v63  }
0x21: {  	_ =	swait.ge [sflag:s16], $0x2780  }
0x22: {  	[sflag:s16] =	ssyncset.done $0x0  }
0x23: {  	[sflag:s16] =	ssyncadd.s32 $0xFFFFD880  }
0x24: {  	s30 =	simm.s32 $0x14000;
	[bflag:$0x0] =	sbarrier.arrive $0xFFFF  }
0x25: {  	[tilespmem:s19], [sflag:$0x1] =	stream.indirect.gather [hbm4b:s4+s18], $0x80, s30, s18, $0xb8;
	[tilespmem:$0x1D000] =	vst v63  }
0x26: {  	_ =	swait.ge [sflag:s20], $0x4000  }
0x27: {  	[sflag:s20] =	ssyncset.done $0x0  }
0x28: {  	s31 =	simm.s32 $0x16800;
	[sflag:s20] =	ssyncadd.s32 $0xFFFFC000  }
0x29: {  	[spmem:s2] =	stream.indirect.scatter.add.f32 [tilespmem:s19], [sflag:$0x2], $0x80, s31, s18, $0xb8;
	[tilespmem:$0x1D000] =	vst v63  }
0x2a: {  	_ =	swait.ge [sflag:s16], $0x4000  }
0x2b: {  	s23 =	simm.s32 $0x400;
	s22 =	simm.s32 $0x80;
	[sflag:s16] =	ssyncset.done $0x0  }
.LBB2_2:
0x2c: {  	s24 =	sadd.s32 $0x14000, s22  }
0x2d: {  	[sflag:s16] =	ssyncadd.s32 $0xFFFFC000;
	s25 =	smov.u32 s23;
	s26 =	sadd.s32 $0x200, s23  }
0x2e: {  	[tilespmem:s19], [sflag:$0x1] =	stream.indirect.gather [hbm4b:s4+s18], $0x80, s24, s18, $0xb8;
	[tilespmem:$0x1D000] =	vst v63  }
0x2f: {  	p1 =	sne.s32 s23, $0x9C00;
	_ =	swait.ge [sflag:s20], $0x4000  }
.Ltmp0:
0x30: {  	[sflag:s20] =	ssyncset.done $0x0;
	(pc) =	sbr.rel @p1 .LBB2_2-.Ltmp0, $4  }
0x31: {  	s22 =	sadd.s32 $0x16800, s22;
	[sflag:s20] =	ssyncadd.s32 $0xFFFFC000  }
0x32: {  	[spmem:s2] =	stream.indirect.scatter.add.f32 [tilespmem:s19], [sflag:$0x2], $0x80, s22, s18, $0xb8;
	[tilespmem:$0x1D000] =	vst v63  }
0x33: {  	_ =	swait.ge [sflag:s16], $0x4000  }
0x34: {  	s23 =	smov.u32 s26;
	s22 =	sshra.s32 s25, $0x2;
	[sflag:s16] =	ssyncset.done $0x0  }
0x35: {  	s23 =	sadd.s32 $0x14000, s22;
	[sflag:s16] =	ssyncadd.s32 $0xFFFFC000  }
0x36: {  	[tilespmem:s19], [sflag:$0x1] =	stream.indirect.gather [hbm4b:s4+s18], $0x80, s23, s18, $0xb8;
	[tilespmem:$0x1D000] =	vst v63  }
0x37: {  	_ =	swait.ge [sflag:s20], $0x4000  }
0x38: {  	[sflag:s20] =	ssyncset.done $0x0  }
0x39: {  	s31 =	sadd.s32 $0x16800, s22;
	[sflag:s20] =	ssyncadd.s32 $0xFFFFC000  }
0x3a: {  	[spmem:s2] =	stream.indirect.scatter.add.f32 [tilespmem:s19], [sflag:$0x2], $0x80, s31, s18, $0xb8;
	[tilespmem:$0x1D000] =	vst v63  }
0x3b: {  	_ =	swait.ge [sflag:s16], $0x4000  }
0x3c: {  	[sflag:s16] =	ssyncset.done $0x0  }
0x3d: {  	[sflag:s16] =	ssyncadd.s32 $0xFFFFC000  }
0x3e: {  	s22 =	simm.s32 @p0 $0x1FC2;
	[bflag:$0x0] =	sbarrier.arrive $0xFFFF  }
0x3f: {  	[hbm:s10], [sflag:s22] =	dma.local @p0 [spmem:s12], $0x2080  }
0x40: {  	s22 =	simm.s32 @p0 $0x2  }
0x41: {  	s21 =	sadd.s32 $0x1, s21;
	_ =	swait.ge @p0 [sflag:s22], $0x2080  }
0x42: {  	p1 =	sne.s32 s21, s11;
	[sflag:s22] =	ssyncset.done @p0 $0x0  }
.Ltmp1:
0x43: {  	[sflag:s22] =	ssyncadd.s32 @p0 $0xFFFFDF80;
	s22 =	simm.s32 @!p0 $0x2;
	(pc) =	sbr.rel @p1 .LBB2_1-.Ltmp1, $4  }
0x44: {  	[hbm:s9], [sflag:s13] =	dma.local @!p0 [spmem:s14], $0x2780  }
0x45: {  	_ =	swait.ge @!p0 [sflag:s22], $0x2780  }
0x46: {  	[sflag:s22] =	ssyncset.done @!p0 $0x0  }
0x47: {  	[sflag:s22] =	ssyncadd.s32 @!p0 $0xFFFFD880  }
0x48: {  	_ =	sfence.sel $0x180000  }
0x49: {  	[bflag:$0x0] =	sbarrier.arrive $0xFFFF  }
0x4a: {  	p0 =	sne.s32 s0, $0x0;
	_ =	strace $0x9000004D  }
0x4b: {  	s0 =	sadd.s32 @!p0 $0x100000, s1;
	[bflag:$0x2] =	sbarrier.arrive $0xFFFF  }
0x4c: {  	[sflag:s0] =	ssyncadd.tile.s32 @!p0 $0x1;
	_ =	shalt  }
.Lfunc_end2:
_tile_overlayer_lowered:
.L_overlay_start_2:
0x4d: {  	(tag) =	ssettag $0x2  }
0x4e: {  	s0 =	rddreg [dreg:$0x0];
	s2 =	stileid.u32  }
0x4f: {  	s1 =	rddreg [dreg:$0x1];
	p0 =	sne.s32 s2, $0x0  }
0x50: {  	s3 =	rddreg [dreg:$0x2];
	[bflag:$0x3] =	sbarrier.arrive $0xFFFF;
	s2 =	simm.s32 @!p0 $0x1C02  }
0x51: {  	[timem:s3], [sflag:s2] =	dma.local @!p0 [hbm:s0], s1  }
0x52: {  	s0 =	simm.s32 @!p0 $0x2  }
0x53: {  	_ =	swait.ge @!p0 [sflag:s0], s1  }
0x54: {  	s1 =	ssub.s32 @!p0 $0x0, s1;
	[sflag:s0] =	ssyncset.done @!p0 $0x0  }
0x55: {  	[sflag:s0] =	ssyncadd.s32 @!p0 s1  }
0x56: {  	[bflag:$0x3] =	sbarrier.arrive $0xFFFF  }
0x57: {  	_ =	shalt  }

// kernel: kernel.8.cloned.1.call-start
scs
__scs_entry_jumppad:
0x0: {  	(pc) =	sbr.rel $0x88, $3  }
0x1: {  	(tag) =	ssettag $0x0;
	lr =	simm.s32 $0x1  }
0x2: {  	[smem:$0x3F99] =	sst lr;
	_ =	strace $0xD0000000  }
0x3: {  	_ = 	snop  }
0x4: {  	_ = 	snop  }
0x5: {  	_ = 	snop  }
0x6: {  	_ = 	snop  }
0x7: {  	_ = 	snop  }
__scs_overlays_trampoline_lowered:
0x8: {  	[smem:$0x3FA8] =	sst s0  }
0x9: {  	[smem:$0x3FA9] =	sst s1  }
0xa: {  	[smem:$0x3FAA] =	sst s2  }
0xb: {  	[smem:$0x3FAB] =	sst s3  }
0xc: {  	[smem:$0x3FAC] =	sst s4  }
0xd: {  	[smem:$0x3FAD] =	sst s5  }
0xe: {  	[smem:$0x3FAE] =	sst s6  }
0xf: {  	[smem:$0x3FAF] =	sst s7  }
0x10: {  	[smem:$0x3FB0] =	sst s8  }
0x11: {  	[smem:$0x3FB1] =	sst s9;
	s0 =	simm.s32 @!p0 $0x0  }
0x12: {  	s1 =	sld [smem:$0x3F97];
	s0 =	simm.s32 @p0 $0x1  }
0x13: {  	[smem:$0x3FB2] =	sst s0;
	s0 =	simm.s32 @!p1 $0x0  }
0x14: {  	s2 =	sld [smem:$0x3F96];
	s0 =	simm.s32 @p1 $0x1  }
0x15: {  	[smem:$0x3FB3] =	sst s0;
	s0 =	simm.s32 @!p2 $0x0  }
0x16: {  	s3 =	sld [smem:$0x3FDB];
	s0 =	simm.s32 @p2 $0x1  }
0x17: {  	s4 =	simm.s32 $0x1BF5;
	[smem:$0x3FB5] =	sst s0  }
0x18: {  	s0 =	sld [smem:$0x3F98];
	_ =	swait.ge [sflag:s4], $0x0  }
0x19: {  	s7 =	sld [smem:$0x3F99]  }
0x1a: {  	s8 =	sadd.s32 $0xFFFFE003, lr  }
0x1b: {  	s9 =	sadd.s32 $0xFFFFFEF7, lr;
	s5 =	simm.s32 $0xFFFFFFFF;
	p2 =	slt.u32 s8, $0xFFFFF086  }
0x1c: {  	p1 =	slt.u32 s9, $0xF7A;
	s5 =	simm.s32 @!p2 $0x0  }
0x1d: {  	s5 =	simm.s32 @p1 $0x1;
	p0 =	seq.s32 s7, s2  }
0x1e: {  	s7 =	smul.u32 @!p0 $0xF7A, s2;
	p2 =	seq.s32 @!p0 s5, $0x0  }
0x1f: {  	s9 =	smul.u32 $0xF7A, s1;
	s8 =	simm.s32 @!p0 $0x1BF5;
	p2 =	por !p2, p0  }
0x20: {  	[sflag:s8] =	ssyncset.s32 @!p0 $0xFFFFF086;
	s6 =	sadd.s32 @!p0 s3, s7;
	s7 =	simm.s32 @!p0 $0x108  }
0x21: {  	s3 =	sadd.s32 s3, s9;
	s6 =	sadd.s32 @!p0 $0x88, s6;
	s7 =	simm.s32 @p2 $0x1082  }
0x22: {  	[simem:s7], [sflag:s8] =	dma.local @!p0 [hbm:s6], $0xF7A  }
0x23: {  	s9 =	sor.u32 $0xD0000000, s2;
	s6 =	simm.s32 $0x108;
	_ =	swait.ge @!p0 [sflag:s8], $0x0  }
0x24: {  	s3 =	sadd.s32 $0x88, s3;
	s6 =	simm.s32 @!p1 $0x1082;
	[sflag:s4] =	ssyncset.s32 $0xFFFFF086  }
0x25: {  	[simem:s6], [sflag:s4] =	dma.local [hbm:s3], $0xF7A  }
0x26: {  	[smem:$0x3F99] =	sst s1;
	(tag) =	ssettag s2;
	_ =	strace s9  }
0x27: {  	s1 =	sld [smem:$0x3FA9]  }
0x28: {  	s2 =	sld [smem:$0x3FAA]  }
0x29: {  	s4 =	sld [smem:$0x3FAC]  }
0x2a: {  	p0 =	seq.s32 s5, $0x0;
	s5 =	sld [smem:$0x3FAD]  }
0x2b: {  	s6 =	sld [smem:$0x3FAE]  }
0x2c: {  	s7 =	sld [smem:$0x3FAF]  }
0x2d: {  	s3 =	simm.s32 $0x108;
	s8 =	sld [smem:$0x3FB0]  }
0x2e: {  	s3 =	simm.s32 @!p0 $0x1082;
	s9 =	sld [smem:$0x3FB1]  }
0x2f: {  	lr =	sadd.s32 s0, s3;
	s0 =	sld [smem:$0x3FA8]  }
0x30: {  	s3 =	sld [smem:$0x3FAB]  }
0x31: {  	[smem:$0x3FB4] =	sst s10  }
0x32: {  	s10 =	sld [smem:$0x3FB2];
	_ =	sdelay $0x3  }
0x33: {  	p0 =	seq.s32 s10, $0x1;
	s10 =	sld [smem:$0x3FB4];
	_ =	sdelay $0x3  }
0x34: {  	[smem:$0x3FB4] =	sst s10  }
0x35: {  	s10 =	sld [smem:$0x3FB3];
	_ =	sdelay $0x3  }
0x36: {  	p1 =	seq.s32 s10, $0x1;
	s10 =	sld [smem:$0x3FB4];
	_ =	sdelay $0x3  }
0x37: {  	[smem:$0x3FB4] =	sst s10  }
0x38: {  	s10 =	sld [smem:$0x3FB5]  }
0x39: {  	_ = 	snop;
	(pc) =	sbr.ind lr, $3  }
0x3a: {  	_ = 	snop  }
0x3b: {  	_ = 	snop  }
0x3c: {  	p2 =	seq.s32 s10, $0x1;
	s10 =	sld [smem:$0x3FB4]  }
0x3d: {  	_ =	shalt  }
0x3e: {  	_ =	shalt  }
0x3f: {  	_ =	shalt  }
0x40: {  	_ =	shalt  }
0x41: {  	_ =	shalt  }
0x42: {  	_ =	shalt  }
0x43: {  	_ =	shalt  }
0x44: {  	_ =	shalt  }
0x45: {  	_ =	shalt  }
0x46: {  	_ =	shalt  }
0x47: {  	_ =	shalt  }
0x48: {  	_ =	shalt  }
0x49: {  	_ =	shalt  }
0x4a: {  	_ =	shalt  }
0x4b: {  	_ =	shalt  }
0x4c: {  	_ =	shalt  }
0x4d: {  	_ =	shalt  }
0x4e: {  	_ =	shalt  }
0x4f: {  	_ =	shalt  }
0x50: {  	_ =	shalt  }
0x51: {  	_ =	shalt  }
0x52: {  	_ =	shalt  }
0x53: {  	_ =	shalt  }
0x54: {  	_ =	shalt  }
0x55: {  	_ =	shalt  }
0x56: {  	_ =	shalt  }
0x57: {  	_ =	shalt  }
0x58: {  	_ =	shalt  }
0x59: {  	_ =	shalt  }
0x5a: {  	_ =	shalt  }
0x5b: {  	_ =	shalt  }
0x5c: {  	_ =	shalt  }
0x5d: {  	_ =	shalt  }
0x5e: {  	_ =	shalt  }
0x5f: {  	_ =	shalt  }
0x60: {  	_ =	shalt  }
0x61: {  	_ =	shalt  }
0x62: {  	_ =	shalt  }
0x63: {  	_ =	shalt  }
0x64: {  	_ =	shalt  }
0x65: {  	_ =	shalt  }
0x66: {  	_ =	shalt  }
0x67: {  	_ =	shalt  }
0x68: {  	_ =	shalt  }
0x69: {  	_ =	shalt  }
0x6a: {  	_ =	shalt  }
0x6b: {  	_ =	shalt  }
0x6c: {  	_ =	shalt  }
0x6d: {  	_ =	shalt  }
0x6e: {  	_ =	shalt  }
0x6f: {  	_ =	shalt  }
0x70: {  	_ =	shalt  }
0x71: {  	_ =	shalt  }
0x72: {  	_ =	shalt  }
0x73: {  	_ =	shalt  }
0x74: {  	_ =	shalt  }
0x75: {  	_ =	shalt  }
0x76: {  	_ =	shalt  }
0x77: {  	_ =	shalt  }
0x78: {  	_ =	shalt  }
0x79: {  	_ =	shalt  }
0x7a: {  	_ =	shalt  }
0x7b: {  	_ =	shalt  }
0x7c: {  	_ =	shalt  }
0x7d: {  	_ =	shalt  }
0x7e: {  	_ =	shalt  }
0x7f: {  	_ =	shalt  }
0x80: {  	_ =	shalt  }
0x81: {  	_ =	shalt  }
0x82: {  	_ =	shalt  }
0x83: {  	_ =	shalt  }
0x84: {  	_ =	shalt  }
0x85: {  	_ =	shalt  }
0x86: {  	_ =	shalt  }
0x87: {  	_ =	shalt  }
.Lfunc_end0:
.L_simem_size_0:
called_computation_lowered:
.L_overlay_start_0:
0x88: {  	s2 =	sld [smem:$0x3FD9]  }
0x89: {  	s3 =	sld [smem:$0x3FFE];
	_ =	sdelay $0x1  }
0x8a: {  	s1 =	srdreg.scid  }
0x8b: {  	s0 =	sand.u32 $0x1, s1  }
0x8c: {  	s17 =	sshll.u32 s0, $0xA;
	s2 =	sadd.s32 s3, s2  }
0x8d: {  	s2 =	sadd.s32 s2, s17  }
0x8e: {  	[smem:$0x3FC0] =	sst s2  }
0x8f: {  	_ = 	snop  }
0x90: {  	s2 =	sld [smem:$0x3FD0];
	(tm) =	ssettm $0x1  }
0x91: {  	s18 =	sld [smem:$0x3FFB];
	_ =	sdelay $0x3  }
0x92: {  	_ =	strace s18  }
0x93: {  	s3 =	sld [smem:$0x3FFC];
	_ =	sdelay $0x3  }
0x94: {  	_ =	strace s3  }
0x95: {  	s3 =	sld [smem:$0x3FFD];
	_ =	sdelay $0x3  }
0x96: {  	_ =	strace s3  }
0x97: {  	_ =	strace $0x8FFFFFFF  }
0x98: {  	s19 =	sld [smem:$0x3FDB];
	_ =	sdelay $0x1  }
0x99: {  	s4 =	simm.s32 $_scs_section_size  }
0x9a: {  	s5 =	simm.s32 $_size__tile_overlayer_lowered;
	s6 =	simm.s32 $_tile_overlayer_lowered  }
0x9b: {  	s22 =	simm.s32 $0x1BFF;
	s21 =	sshll.u32 s6, $0x1;
	s3 =	sadd.s32 s4, s19  }
0x9c: {  	s7 =	simm.s32 $0x0;
	s20 =	sshll.u32 s5, $0x1;
	s5 =	sadd.s32 s21, s3  }
0x9d: {  	[timem:s7], [sflag:s22] =	dma.local [hbm:s5], s20  }
0x9e: {  	_ =	swait.ge [sflag:s22], s20  }
0x9f: {  	s4 =	ssub.s32 $0x0, s20;
	[sflag:s22] =	ssyncset.done $0x0  }
0xa0: {  	[sflag:s22] =	ssyncadd.s32 s4;
	_ =	sdelay $0x1  }
0xa1: {  	s23 =	simm.s32 $0x1B8B  }
0xa2: {  	_ =	swait.ge [sflag:s23], $0x1  }
0xa3: {  	[sflag:s23] =	ssyncset.done $0x0  }
0xa4: {  	s25 =	simm.s32 $0x1B8E;
	s24 =	sld [smem:$0x3FFE];
	[sflag:s23] =	ssyncadd.s32 $0xFFFFFFFF  }
0xa5: {  	s26 =	simm.s32 $execute0_lowered;
	[smem:$0x3FD2] =	sst s25  }
0xa6: {  	s5 =	sshll.u32 s26, $0x1;
	_ =	strace $0x80000046;
	[dreg:$0x1] =	wrdreg $0xFFFFFFFF  }
0xa7: {  	s28 =	simm.s32 $_size_execute0_lowered;
	s3 =	sadd.s32 s3, s5;
	[dreg:$0x0] =	wrdreg $0x0  }
0xa8: {  	s5 =	sshll.u32 s28, $0x1;
	[dreg:$0x2] =	wrdreg s3  }
0xa9: {  	[dreg:$0x3] =	wrdreg s5  }
0xaa: {  	[dreg:$0x4] =	wrdreg $0xC0  }
0xab: {  	_ =	task [dreg:s7], $0x5FFFF  }
0xac: {  	[dreg:$0x1] =	wrdreg $0xFFFFFFFF  }
0xad: {  	[dreg:$0x0] =	wrdreg $0x60  }
0xae: {  	[dreg:$0x2] =	wrdreg s24  }
0xaf: {  	[dreg:$0x3] =	wrdreg s2  }
0xb0: {  	[dreg:$0x4] =	wrdreg $0x0  }
0xb1: {  	[dreg:$0x5] =	wrdreg $0x9  }
0xb2: {  	_ =	task.clear_ibuf [dreg:s7], $0x6FFFF;
	_ =	strace $0x90000046  }
0xb3: {  	s29 =	simm.s32 $0x9;
	_ =	strace $0x80000048  }
0xb4: {  	_ =	swait.ge [sflag:s29], $0x1  }
0xb5: {  	[sflag:s29] =	ssyncadd.s32 $0xFFFFFFFF  }
0xb6: {  	_ =	strace $0x90000048  }
0xb7: {  	_ =	sfence  }
0xb8: {  	s30 =	sld [smem:$0x0];
	_ =	sdelay $0x2  }
0xb9: {  	s31 =	sshll.u32 s1, $0xD;
	s1 =	sshrl.u32 s1, $0x2  }
0xba: {  	s3 =	sand.u32 $0x4000, s31;
	s1 =	sadd.s32 s1, s30  }
0xbb: {  	s0 =	sor.u32 s3, s0;
	s1 =	sshll.u32 s1, $0x11  }
0xbc: {  	s0 =	sor.u32 s1, s0  }
0xbd: {  	s0 =	sadd.s32 $0x8F2B, s0  }
0xbe: {  	[sflag:s0] =	ssyncadd.remote.s32 $0x1  }
0xbf: {  	_ =	sfence.sel $0xFFFF  }
0xc0: {  	[dreg:$0x0] =	wrdreg $0xFFFFFFFF;
	(pc) =	sbr.abs _section_cstart, $3  }
0xc1: {  	[dreg:$0x1] =	wrdreg $0xFFFFFFFF  }
0xc2: {  	_ =	task.clear_ibuf [dreg:s7], $0x2FFFF;
	_ =	strace $0x9FFFFFFF  }
0xc3: {  	(tm) =	ssettm $0x7FFFFFFF  }
tec
execute0_lowered:
.L_overlay_start_1:
0x0: {  	(tag) =	ssettag $0x1  }
0x1: {  	s5 =	rddreg [dreg:$0x0]  }
0x2: {  	s2 =	rddreg [dreg:$0x1]  }
0x3: {  	s3 =	rddreg [dreg:$0x2]  }
0x4: {  	s0 =	rddreg [dreg:$0x3]  }
0x5: {  	s1 =	stileid.u32;
	s7 =	srdreg.scid  }
0x6: {  	s4 =	simm.s32 $0x0;
	s14 =	simm.s32 $0x27;
	s6 =	smul.u32 $0x500, s1  }
0x7: {  	s17 =	simm.s32 $0x0;
	s8 =	smul.u32 $0x280, s1;
	s9 =	sand.u32 $0x1, s7  }
0x8: {  	[smem:$0x7FF] =	sst s4;
	s29 =	sshll.u32 s1, $0x6;
	s7 =	smul.u32 $0x2800, s9  }
0x9: {  	_ =	strace $0x80000047;
	s11 =	ssub.s32 $0x2, s9;
	s15 =	smul.u32 $0x4E00, s9  }
0xa: {  	p0 =	seq.s32 s9, $0x0;
	s16 =	smul.u32 $0x27, s9;
	s10 =	sadd.s32 s6, s5  }
0xb: {  	s28 =	sshrl.u32 s8, $0x3;
	s12 =	sshrl.u32 s11, $0x1;
	s30 =	sadd.s32 s8, s3  }
0xc: {  	s14 =	simm.s32 @!p0 $0x4F;
	s7 =	sadd.s32 s8, s7;
	s6 =	sadd.s32 s28, s5  }
0xd: {  	s11 =	ssub.s32 s11, s12;
	s31 =	sshrl.u32 s15, $0x2;
	p0 =	sle.u32 s14, s16  }
.Ltmp0:
0xe: {  	s12 =	sshrl.u32 s30, $0x3;
	s15 =	simm.s32 $0x2A80;
	(pc) =	sbr.rel .LBB2_1-.Ltmp0, $4  }
0xf: {  	s7 =	sshrl.u32 s7, $0x3;
	s9 =	smax.u32 s11, $0x1;
	s11 =	sadd.s32 $0x280, s31  }
0x10: {  	s13 =	sadd.s32 s7, s5;
	s5 =	sadd.s32 $0x6800, s6;
	s6 =	sor.u32 $0x1C01, s29  }
0x11: {  	s7 =	sadd.s32 $0x1800, s10;
	s10 =	ssub.s32 s14, s16;
	s14 =	simm.s32 $0x280  }
0x12: {  	s16 =	simm.s32 $0x80;
	s8 =	sadd.s32 $0x6E00, s13;
	s13 =	simm.s32 $0x1  }
.LBB2_4:
0x13: {  	[sflag:s13] =	ssyncadd.s32 $0xFFFFFF80  }
.LBB2_5:
0x14: {  	s17 =	sadd.s32 $0x1, s17  }
0x15: {  	p1 =	sne.s32 s17, s9  }
.Ltmp1:
0x16: {  	[bflag:$0x0] =	sbarrier.arrive $0xFFFF;
	(pc) =	sbr.rel @!p1 .LBB2_6-.Ltmp1, $4  }
0x17: {  	[hbm:s8], [sflag:s6] =	dma.local [spmem:s12], $0x50  }
0x18: {  	_ =	swait.ge [sflag:s13], $0x50  }
0x19: {  	[sflag:s13] =	ssyncset.done $0x0  }
0x1a: {  	[sflag:s13] =	ssyncadd.s32 $0xFFFFFFB0  }
.LBB2_1:
0x1b: {  	[spmem:s12], [sflag:s6] =	dma.local [hbm:s5], $0x50  }
0x1c: {  	_ =	swait.ge [sflag:s13], $0x50  }
0x1d: {  	[sflag:s13] =	ssyncset.done $0x0  }
0x1e: {  	[sflag:s13] =	ssyncadd.s32 $0xFFFFFFB0  }
0x1f: {  	[tilespmem:s14], [sflag:$0x1] =	stream.linear.gather [hbm4b:s7+s4], $0x2780, $0x38;
	[tilespmem:$0x2B00] =	vst v63  }
0x20: {  	_ =	swait.ge [sflag:s13], $0x2780  }
0x21: {  	[sflag:s13] =	ssyncset.done $0x0  }
0x22: {  	[sflag:s13] =	ssyncadd.s32 $0xFFFFD880  }
0x23: {  	[tilespmem:s15], [sflag:$0x1] =	stream.linear.gather [hbm4b:s2+s4], $0x80, $0x38;
	[tilespmem:$0x2B00] =	vst v63  }
.Ltmp2:
0x24: {  	_ =	swait.ge [sflag:s13], $0x80;
	(pc) =	sbr.rel @p0 .LBB2_5-.Ltmp2, $3  }
0x25: {  	[sflag:s13] =	ssyncset.done $0x0  }
0x26: {  	[sflag:s13] =	ssyncadd.s32 $0xFFFFFF80  }
0x27: {  	[bflag:$0x0] =	sbarrier.arrive $0xFFFF;
	_ =	sdelay $0x1  }
0x28: {  	p1 =	sne.s32 s10, $0x1  }
.Ltmp3:
0x29: {  	_ = 	snop;
	(pc) =	sbr.rel @!p1 .LBB2_4-.Ltmp3, $4  }
0x2a: {  	_ = 	snop  }
0x2b: {  	[spmem:s3] =	stream.indirect.scatter.add.f32 [tilespmem:s15], [sflag:$0x1], $0x1, s11, s16, $0xb8;
	[tilespmem:$0x2B00] =	vst v63  }
0x2c: {  	_ =	swait.ge [sflag:s13], $0x80  }
0x2d: {  	s18 =	sadd.s32 $0xFFFFFFFF, s10;
	s19 =	smov.u32 s11;
	[sflag:s13] =	ssyncset.done $0x0  }
.LBB2_3:
0x2e: {  	p1 =	sne.s32 s18, $0x1;
	[sflag:s13] =	ssyncadd.s32 $0xFFFFFF80;
	s19 =	sadd.s32 $0x80, s19  }
.Ltmp4:
0x2f: {  	s18 =	sadd.s32 $0xFFFFFFFF, s18;
	(pc) =	sbr.rel @p1 .LBB2_3-.Ltmp4, $4  }
0x30: {  	_ = 	snop  }
0x31: {  	[spmem:s3] =	stream.indirect.scatter.add.f32 [tilespmem:s15], [sflag:$0x1], $0x1, s19, s16, $0xb8;
	[tilespmem:$0x2B00] =	vst v63  }
0x32: {  	_ =	swait.ge [sflag:s13], $0x80  }
0x33: {  	[sflag:s13] =	ssyncset.done $0x0  }
.Ltmp5:
0x34: {  	_ = 	snop;
	(pc) =	sbr.rel .LBB2_4-.Ltmp5, $1  }
0x35: {  	_ =	sdelay $0x3  }
.LBB2_6:
0x36: {  	_ =	sfence.sel $0x180000  }
0x37: {  	[bflag:$0x0] =	sbarrier.arrive $0xFFFF  }
0x38: {  	p0 =	sne.s32 s1, $0x0;
	_ =	strace $0x90000047  }
0x39: {  	s0 =	sadd.s32 @!p0 $0x100000, s0;
	[bflag:$0x2] =	sbarrier.arrive $0xFFFF  }
0x3a: {  	[sflag:s0] =	ssyncadd.tile.s32 @!p0 $0x1;
	_ =	shalt  }
.Lfunc_end2:
_tile_overlayer_lowered:
.L_overlay_start_2:
0x3b: {  	(tag) =	ssettag $0x2  }
0x3c: {  	s0 =	rddreg [dreg:$0x0];
	s2 =	stileid.u32  }
0x3d: {  	s1 =	rddreg [dreg:$0x1];
	p0 =	sne.s32 s2, $0x0  }
0x3e: {  	s3 =	rddreg [dreg:$0x2];
	[bflag:$0x3] =	sbarrier.arrive $0xFFFF;
	s2 =	simm.s32 @!p0 $0x1C01  }
0x3f: {  	[timem:s3], [sflag:s2] =	dma.local @!p0 [hbm:s0], s1  }
0x40: {  	s0 =	simm.s32 @!p0 $0x1  }
0x41: {  	_ =	swait.ge @!p0 [sflag:s0], s1  }
0x42: {  	s1 =	ssub.s32 @!p0 $0x0, s1;
	[sflag:s0] =	ssyncset.done @!p0 $0x0  }
0x43: {  	[sflag:s0] =	ssyncadd.s32 @!p0 s1  }
0x44: {  	[bflag:$0x3] =	sbarrier.arrive $0xFFFF  }
0x45: {  	_ =	shalt  }

</sc_bundles>
